<compile_context>
chip_gen: v7x
topology: tpu7x:2x2x1
jax: 0.10.2.dev20260603
libtpu: 0.0.44.dev20260713+nightly
codegen_flags: <defaults>
</compile_context>

<pallas_src>
import math
import functools

import numpy as np
import jax
import jax.numpy as jnp
from jax import lax
from jax.experimental import pallas as pl
from jax.experimental.pallas import tpu as pltpu
from jax.experimental.pallas import tpu_sc as plsc

_GRID = 32
_MAX_FRAMES = 32
_EMBED_DIM = 384
_SPATIAL_DIM = _EMBED_DIM * 2 // 3
_TEMPORAL_DIM = _EMBED_DIM - _SPATIAL_DIM
_X_DIM = _SPATIAL_DIM // 2
_Y_DIM = _SPATIAL_DIM - _X_DIM
_N = _GRID * _GRID

_NW = 32
_RPW = _N // _NW


def _create_pe_np(max_len, d):
    pos = np.arange(max_len, dtype=np.float32)[:, None]
    pe = np.zeros((max_len, d), dtype=np.float32)
    num_even = (d + 1) // 2
    num_odd = d // 2
    div_even = np.exp(np.arange(num_even, dtype=np.float32) * 2.0 * (-math.log(10000.0) / d))
    pe[:, 0::2] = np.sin(pos * div_even)
    if num_odd > 0:
        div_odd = np.exp(np.arange(num_odd, dtype=np.float32) * 2.0 * (-math.log(10000.0) / d))
        pe[:, 1::2] = np.cos(pos * div_odd)
    return pe


@functools.lru_cache(maxsize=None)
def _pe_tables(T):
    pe_x_tab = _create_pe_np(_GRID, _X_DIM)
    pe_y_tab = _create_pe_np(_GRID, _Y_DIM)
    pe_t_tab = _create_pe_np(_MAX_FRAMES, _TEMPORAL_DIM)
    yy, xx = np.meshgrid(np.arange(_GRID), np.arange(_GRID), indexing="ij")
    pe_x = pe_x_tab[xx.flatten()]
    pe_y = pe_y_tab[yy.flatten()]
    pe_spatial = np.concatenate([pe_x, pe_y], axis=-1)
    pe_t = pe_t_tab[:T]
    return jnp.asarray(pe_spatial.reshape(-1)), jnp.asarray(pe_t.reshape(-1))


_NBUF = 4


@functools.lru_cache(maxsize=None)
def _make_sc_kernel(planes, T):
    E = _EMBED_DIM
    SD = _SPATIAL_DIM
    TD = _TEMPORAL_DIM
    chunk = _RPW * E
    assert planes % _NBUF == 0

    mesh = plsc.VectorSubcoreMesh(core_axis_name="c", subcore_axis_name="s")

    @functools.partial(
        pl.kernel,
        mesh=mesh,
        out_type=jax.ShapeDtypeStruct((planes * _N * E,), jnp.float32),
        scratch_types=[
            pltpu.VMEM((_RPW * SD,), jnp.float32),
            pltpu.VMEM((T * TD,), jnp.float32),
            [pltpu.VMEM((chunk,), jnp.float32) for _ in range(_NBUF)],
            [pltpu.SemaphoreType.DMA for _ in range(_NBUF)],
            [pltpu.SemaphoreType.DMA for _ in range(_NBUF)],
        ],
    )
    def sc_add_pe(x_hbm, ps_hbm, pt_hbm, out_hbm, ps_v, pt_v, bufs, isems, osems):
        wid = lax.axis_index("s") * 2 + lax.axis_index("c")
        pltpu.sync_copy(ps_hbm.at[pl.ds(wid * (_RPW * SD), _RPW * SD)], ps_v)
        pltpu.sync_copy(pt_hbm, pt_v)

        def base(p):
            return (p * _N + wid * _RPW) * E

        def start_in(p, b):
            pltpu.async_copy(x_hbm.at[pl.ds(base(p), chunk)], bufs[b], isems[b])

        def wait_in(b):
            pltpu.make_async_copy(x_hbm.at[pl.ds(0, chunk)], bufs[b], isems[b]).wait()

        def start_out(p, b):
            pltpu.async_copy(bufs[b], out_hbm.at[pl.ds(base(p), chunk)], osems[b])

        def wait_out(b):
            pltpu.make_async_copy(bufs[b], out_hbm.at[pl.ds(0, chunk)], osems[b]).wait()

        def compute(b, t):
            tb = t * TD
            buf_v = bufs[b]
            pt_vecs = tuple(pt_v[pl.ds(tb + c * 16, 16)] for c in range(TD // 16))

            def row_body(i, pt_c):
                boff = i * E
                poff = i * SD
                vs = [ps_v[pl.ds(poff + c * 16, 16)] for c in range(SD // 16)]
                for c in range(SD // 16):
                    plsc.addupdate(buf_v.at[pl.ds(boff + c * 16, 16)], vs[c])
                for c in range(TD // 16):
                    plsc.addupdate(buf_v.at[pl.ds(boff + SD + c * 16, 16)], pt_c[c])
                return pt_c

            lax.fori_loop(0, _RPW, row_body, pt_vecs)

        start_in(0, 0)
        start_in(1, 1)

        def quad_body(q, carry):
            for j in range(_NBUF):
                p = q * _NBUF + j
                wait_in(j)
                compute(j, lax.rem(p, T))
                start_out(p, j)
                nb = (j + 2) % _NBUF
                nxt = p + 2

                @pl.when(nxt < planes)
                def _():
                    @pl.when(p >= 2)
                    def _():
                        wait_out(nb)
                    start_in(nxt, nb)
            return carry

        lax.fori_loop(0, planes // _NBUF, quad_body, 0)
        for b in range(_NBUF):
            wait_out(b)

    return sc_add_pe


def kernel(x):
    B, T, N, E = x.shape
    ps_flat, pt_flat = _pe_tables(T)
    sc_add_pe = _make_sc_kernel(B * T, T)
    out = sc_add_pe(x.reshape(-1), ps_flat, pt_flat)
    return out.reshape(B, T, N, E)

# --- scband reference (transcript-rebuilt; emitter-appended) ---
"""Pipeline reference for scband-spatio-temporal-positional-encoding-50929722196760 (READ-ONLY COPY).

The authoritative reference and input builder live on the scoring server;
editing this copy changes nothing except your own understanding.
"""

import jax, jax.numpy as jnp
import numpy as np
import math

EMBED_DIM = 384
GRID = 32
MAX_FRAMES = 32
SPATIAL_DIM = EMBED_DIM * 2 // 3
TEMPORAL_DIM = EMBED_DIM - SPATIAL_DIM
X_DIM = SPATIAL_DIM // 2
Y_DIM = SPATIAL_DIM - X_DIM


def _create_pe(max_len, d):
    pos = np.arange(max_len, dtype=np.float32)[:, None]
    pe = np.zeros((max_len, d), dtype=np.float32)
    num_even = (d + 1) // 2
    num_odd = d // 2
    div_term_even = np.exp(np.arange(num_even, dtype=np.float32) * 2.0 * (-math.log(10000.0) / d))
    pe[:, 0::2] = np.sin(pos * div_term_even)
    if num_odd > 0:
        div_term_odd = np.exp(np.arange(num_odd, dtype=np.float32) * 2.0 * (-math.log(10000.0) / d))
        pe[:, 1::2] = np.cos(pos * div_term_odd)
    return jnp.asarray(pe)


def setup_inputs(seed: int = 0) -> dict:
    key = jax.random.key(seed)
    x = jax.random.normal(key, (4, 16, GRID * GRID, EMBED_DIM), dtype=jnp.float32)
    return {"x": x}


def reference(x):
    B, T, N, E = x.shape
    pe_x_tab = _create_pe(GRID, X_DIM)
    pe_y_tab = _create_pe(GRID, Y_DIM)
    pe_t_tab = _create_pe(MAX_FRAMES, TEMPORAL_DIM)
    yy, xx = jnp.meshgrid(jnp.arange(GRID), jnp.arange(GRID), indexing='ij')
    x_positions = xx.flatten()
    y_positions = yy.flatten()
    pe_x = jnp.take(pe_x_tab, x_positions, axis=0)
    pe_y = jnp.take(pe_y_tab, y_positions, axis=0)
    pe_spatial = jnp.concatenate([pe_x, pe_y], axis=-1)  # (N, SPATIAL_DIM)
    t_positions = jnp.arange(T)
    pe_t = jnp.take(pe_t_tab, t_positions, axis=0)  # (T, TEMPORAL_DIM)
    spatial = x[..., :SPATIAL_DIM] + pe_spatial[None, None, :, :]
    temporal = x[..., SPATIAL_DIM:] + pe_t[None, :, None, :]
    return jnp.concatenate([spatial, temporal], axis=-1)

if __name__ == "__main__":
    import jax
    _d = setup_inputs()
    print(jax.jit(kernel)(*tuple(_d.values())))

</pallas_src>

<mosaic_0001>
#map = affine_map<(d0, d1) -> (0)>
module attributes {stable_mosaic.version = 14 : i64} {
  func.func @sc_add_pe(%arg0: i32, %arg1: i32, %arg2: memref<25165824xf32, #tpu.memory_space<hbm>>, %arg3: memref<262144xf32, #tpu.memory_space<hbm>>, %arg4: memref<2048xf32, #tpu.memory_space<hbm>>, %arg5: memref<25165824xf32, #tpu.memory_space<hbm>>, %arg6: memref<8192xf32, #tpu.memory_space<vmem>>, %arg7: memref<2048xf32, #tpu.memory_space<vmem>>, %arg8: memref<12288xf32, #tpu.memory_space<vmem>>, %arg9: memref<12288xf32, #tpu.memory_space<vmem>>, %arg10: memref<12288xf32, #tpu.memory_space<vmem>>, %arg11: memref<12288xf32, #tpu.memory_space<vmem>>, %arg12: memref<!tpu.dma_semaphore, #tpu.memory_space<semaphore_mem>>, %arg13: memref<!tpu.dma_semaphore, #tpu.memory_space<semaphore_mem>>, %arg14: memref<!tpu.dma_semaphore, #tpu.memory_space<semaphore_mem>>, %arg15: memref<!tpu.dma_semaphore, #tpu.memory_space<semaphore_mem>>, %arg16: memref<!tpu.dma_semaphore, #tpu.memory_space<semaphore_mem>>, %arg17: memref<!tpu.dma_semaphore, #tpu.memory_space<semaphore_mem>>, %arg18: memref<!tpu.dma_semaphore, #tpu.memory_space<semaphore_mem>>, %arg19: memref<!tpu.dma_semaphore, #tpu.memory_space<semaphore_mem>>) attributes {dimension_semantics = [#tpu.dimension_semantics<core_parallel>, #tpu.dimension_semantics<subcore_parallel>], iteration_bounds = array<i64: 2, 16>, scalar_prefetch = 0 : i64, scratch_operands = 14 : i64, tpu.core_type = #tpu.core_type<sc_vector_subcore>, window_params = [{transform_indices = #map}, {transform_indices = #map}, {transform_indices = #map}, {transform_indices = #map}]} {
    %mul3A = arith.constant 2 : i32
    %mul3A_0 = arith.muli %arg1, %mul3A : i32
    %add3A = arith.addi %mul3A_0, %arg0 : i32
    %mul3A_1 = arith.constant 8192 : i32
    %mul3A_2 = arith.muli %add3A, %mul3A_1 : i32
    "tpu.region"() ({
      %run_scoped3A = tpu.sem_alloc : memref<!tpu.dma_semaphore, #tpu.memory_space<semaphore_mem>>
      %dma_start3A_38 = tpu.memref_slice %arg3[%mul3A_2] : memref<262144xf32, #tpu.memory_space<hbm>> -> memref<8192xf32, #tpu.memory_space<hbm>>
      %dma_start3A_39 = tpu.memref_slice %arg3[%mul3A_2] : memref<262144xf32, #tpu.memory_space<hbm>> -> memref<8192xf32, #tpu.memory_space<hbm>>
      tpu.enqueue_dma source(%dma_start3A_39 : memref<8192xf32, #tpu.memory_space<hbm>>) target(%arg6 : memref<8192xf32, #tpu.memory_space<vmem>>) target_semaphore(%run_scoped3A : memref<!tpu.dma_semaphore, #tpu.memory_space<semaphore_mem>>)
      %dma_wait3A_40 = tpu.memref_slice %arg3[%mul3A_2] : memref<262144xf32, #tpu.memory_space<hbm>> -> memref<8192xf32, #tpu.memory_space<hbm>>
      %dma_wait3A_41 = tpu.memref_slice %arg3[%mul3A_2] : memref<262144xf32, #tpu.memory_space<hbm>> -> memref<8192xf32, #tpu.memory_space<hbm>>
      tpu.wait_dma2 semaphore(%run_scoped3A : memref<!tpu.dma_semaphore, #tpu.memory_space<semaphore_mem>>) src(%dma_wait3A_41 : memref<8192xf32, #tpu.memory_space<hbm>>) dst(%arg6 : memref<8192xf32, #tpu.memory_space<vmem>>)
      tpu.yield
    }) : () -> ()
    "tpu.region"() ({
      %run_scoped3A = tpu.sem_alloc : memref<!tpu.dma_semaphore, #tpu.memory_space<semaphore_mem>>
      tpu.enqueue_dma source(%arg4 : memref<2048xf32, #tpu.memory_space<hbm>>) target(%arg7 : memref<2048xf32, #tpu.memory_space<vmem>>) target_semaphore(%run_scoped3A : memref<!tpu.dma_semaphore, #tpu.memory_space<semaphore_mem>>)
      tpu.wait_dma2 semaphore(%run_scoped3A : memref<!tpu.dma_semaphore, #tpu.memory_space<semaphore_mem>>) src(%arg4 : memref<2048xf32, #tpu.memory_space<hbm>>) dst(%arg7 : memref<2048xf32, #tpu.memory_space<vmem>>)
      tpu.yield
    }) : () -> ()
    %mul3A_3 = arith.constant 32 : i32
    %mul3A_4 = arith.muli %add3A, %mul3A_3 : i32
    %add3A_5 = arith.constant 0 : i32
    %add3A_6 = arith.addi %add3A_5, %mul3A_4 : i32
    %mul3A_7 = arith.constant 384 : i32
    %mul3A_8 = arith.muli %add3A_6, %mul3A_7 : i32
    %dma_start3A = tpu.memref_slice %arg2[%mul3A_8] : memref<25165824xf32, #tpu.memory_space<hbm>> -> memref<12288xf32, #tpu.memory_space<hbm>>
    %dma_start3A_9 = tpu.memref_slice %arg2[%mul3A_8] : memref<25165824xf32, #tpu.memory_space<hbm>> -> memref<12288xf32, #tpu.memory_space<hbm>>
    tpu.enqueue_dma source(%dma_start3A_9 : memref<12288xf32, #tpu.memory_space<hbm>>) target(%arg8 : memref<12288xf32, #tpu.memory_space<vmem>>) target_semaphore(%arg12 : memref<!tpu.dma_semaphore, #tpu.memory_space<semaphore_mem>>)
    %mul3A_10 = arith.constant 32 : i32
    %mul3A_11 = arith.muli %add3A, %mul3A_10 : i32
    %add3A_12 = arith.constant 1024 : i32
    %add3A_13 = arith.addi %add3A_12, %mul3A_11 : i32
    %mul3A_14 = arith.constant 384 : i32
    %mul3A_15 = arith.muli %add3A_13, %mul3A_14 : i32
    %dma_start3A_16 = tpu.memref_slice %arg2[%mul3A_15] : memref<25165824xf32, #tpu.memory_space<hbm>> -> memref<12288xf32, #tpu.memory_space<hbm>>
    %dma_start3A_17 = tpu.memref_slice %arg2[%mul3A_15] : memref<25165824xf32, #tpu.memory_space<hbm>> -> memref<12288xf32, #tpu.memory_space<hbm>>
    tpu.enqueue_dma source(%dma_start3A_17 : memref<12288xf32, #tpu.memory_space<hbm>>) target(%arg9 : memref<12288xf32, #tpu.memory_space<vmem>>) target_semaphore(%arg13 : memref<!tpu.dma_semaphore, #tpu.memory_space<semaphore_mem>>)
    %scan3A = arith.constant 0 : i32
    %scan3A_18 = arith.constant 0 : i32
    %scan3A_19 = arith.constant 16 : i32
    %scan3A_20 = arith.addi %scan3A_18, %scan3A_19 : i32
    %scan3A_21 = arith.constant 1 : i32
    scf.for %scan3A_38 = %scan3A_18 to %scan3A_20 step %scan3A_21  : i32 {
      %mul3A_39 = arith.constant 4 : i32
      %mul3A_40 = arith.muli %scan3A_38, %mul3A_39 : i32
      %add3A_41 = arith.constant 0 : i32
      %add3A_42 = arith.addi %mul3A_40, %add3A_41 : i32
      %dma_wait3A_43 = arith.constant 0 : i32
      %dma_wait3A_44 = tpu.memref_slice %arg2[%dma_wait3A_43] : memref<25165824xf32, #tpu.memory_space<hbm>> -> memref<12288xf32, #tpu.memory_space<hbm>>
      %dma_wait3A_45 = arith.constant 0 : i32
      %dma_wait3A_46 = tpu.memref_slice %arg2[%dma_wait3A_45] : memref<25165824xf32, #tpu.memory_space<hbm>> -> memref<12288xf32, #tpu.memory_space<hbm>>
      tpu.wait_dma2 semaphore(%arg12 : memref<!tpu.dma_semaphore, #tpu.memory_space<semaphore_mem>>) src(%dma_wait3A_46 : memref<12288xf32, #tpu.memory_space<hbm>>) dst(%arg8 : memref<12288xf32, #tpu.memory_space<vmem>>)
      %rem3A = arith.constant 16 : i32
      %rem3A_47 = arith.remsi %add3A_42, %rem3A : i32
      %mul3A_48 = arith.constant 128 : i32
      %mul3A_49 = arith.muli %rem3A_47, %mul3A_48 : i32
      %add3A_50 = arith.constant 0 : i32
      %add3A_51 = arith.addi %mul3A_49, %add3A_50 : i32
      %get3A = arith.index_cast %add3A_51 : i32 to index
      %get3A_52 = tpu.vector_load %arg7[%get3A] {strides = array<i32>} : memref<2048xf32, #tpu.memory_space<vmem>>, vector<16xf32>,
      %get3A_53 = vector.shape_cast %get3A_52 : vector<16xf32> to vector<16xf32>
      %add3A_54 = arith.constant 16 : i32
      %add3A_55 = arith.addi %mul3A_49, %add3A_54 : i32
      %get3A_56 = arith.index_cast %add3A_55 : i32 to index
      %get3A_57 = tpu.vector_load %arg7[%get3A_56] {strides = array<i32>} : memref<2048xf32, #tpu.memory_space<vmem>>, vector<16xf32>,
      %get3A_58 = vector.shape_cast %get3A_57 : vector<16xf32> to vector<16xf32>
      %add3A_59 = arith.constant 32 : i32
      %add3A_60 = arith.addi %mul3A_49, %add3A_59 : i32
      %get3A_61 = arith.index_cast %add3A_60 : i32 to index
      %get3A_62 = tpu.vector_load %arg7[%get3A_61] {strides = array<i32>} : memref<2048xf32, #tpu.memory_space<vmem>>, vector<16xf32>,
      %get3A_63 = vector.shape_cast %get3A_62 : vector<16xf32> to vector<16xf32>
      %add3A_64 = arith.constant 48 : i32
      %add3A_65 = arith.addi %mul3A_49, %add3A_64 : i32
      %get3A_66 = arith.index_cast %add3A_65 : i32 to index
      %get3A_67 = tpu.vector_load %arg7[%get3A_66] {strides = array<i32>} : memref<2048xf32, #tpu.memory_space<vmem>>, vector<16xf32>,
      %get3A_68 = vector.shape_cast %get3A_67 : vector<16xf32> to vector<16xf32>
      %add3A_69 = arith.constant 64 : i32
      %add3A_70 = arith.addi %mul3A_49, %add3A_69 : i32
      %get3A_71 = arith.index_cast %add3A_70 : i32 to index
      %get3A_72 = tpu.vector_load %arg7[%get3A_71] {strides = array<i32>} : memref<2048xf32, #tpu.memory_space<vmem>>, vector<16xf32>,
      %get3A_73 = vector.shape_cast %get3A_72 : vector<16xf32> to vector<16xf32>
      %add3A_74 = arith.constant 80 : i32
      %add3A_75 = arith.addi %mul3A_49, %add3A_74 : i32
      %get3A_76 = arith.index_cast %add3A_75 : i32 to index
      %get3A_77 = tpu.vector_load %arg7[%get3A_76] {strides = array<i32>} : memref<2048xf32, #tpu.memory_space<vmem>>, vector<16xf32>,
      %get3A_78 = vector.shape_cast %get3A_77 : vector<16xf32> to vector<16xf32>
      %add3A_79 = arith.constant 96 : i32
      %add3A_80 = arith.addi %mul3A_49, %add3A_79 : i32
      %get3A_81 = arith.index_cast %add3A_80 : i32 to index
      %get3A_82 = tpu.vector_load %arg7[%get3A_81] {strides = array<i32>} : memref<2048xf32, #tpu.memory_space<vmem>>, vector<16xf32>,
      %get3A_83 = vector.shape_cast %get3A_82 : vector<16xf32> to vector<16xf32>
      %add3A_84 = arith.constant 112 : i32
      %add3A_85 = arith.addi %mul3A_49, %add3A_84 : i32
      %get3A_86 = arith.index_cast %add3A_85 : i32 to index
      %get3A_87 = tpu.vector_load %arg7[%get3A_86] {strides = array<i32>} : memref<2048xf32, #tpu.memory_space<vmem>>, vector<16xf32>,
      %get3A_88 = vector.shape_cast %get3A_87 : vector<16xf32> to vector<16xf32>
      %scan3A_89 = arith.constant 0 : i32
      %scan3A_90 = arith.constant 32 : i32
      %scan3A_91 = arith.addi %scan3A_89, %scan3A_90 : i32
      %scan3A_92 = arith.constant 1 : i32
      scf.for %scan3A_326 = %scan3A_89 to %scan3A_91 step %scan3A_92  : i32 {
        %mul3A_327 = arith.constant 384 : i32
        %mul3A_328 = arith.muli %scan3A_326, %mul3A_327 : i32
        %mul3A_329 = arith.constant 256 : i32
        %mul3A_330 = arith.muli %scan3A_326, %mul3A_329 : i32
        %add3A_331 = arith.constant 0 : i32
        %add3A_332 = arith.addi %mul3A_330, %add3A_331 : i32
        %get3A_333 = arith.index_cast %add3A_332 : i32 to index
        %get3A_334 = tpu.vector_load %arg6[%get3A_333] {strides = array<i32>} : memref<8192xf32, #tpu.memory_space<vmem>>, vector<16xf32>,
        %get3A_335 = vector.shape_cast %get3A_334 : vector<16xf32> to vector<16xf32>
        %add3A_336 = arith.constant 16 : i32
        %add3A_337 = arith.addi %mul3A_330, %add3A_336 : i32
        %get3A_338 = arith.index_cast %add3A_337 : i32 to index
        %get3A_339 = tpu.vector_load %arg6[%get3A_338] {strides = array<i32>} : memref<8192xf32, #tpu.memory_space<vmem>>, vector<16xf32>,
        %get3A_340 = vector.shape_cast %get3A_339 : vector<16xf32> to vector<16xf32>
        %add3A_341 = arith.constant 32 : i32
        %add3A_342 = arith.addi %mul3A_330, %add3A_341 : i32
        %get3A_343 = arith.index_cast %add3A_342 : i32 to index
        %get3A_344 = tpu.vector_load %arg6[%get3A_343] {strides = array<i32>} : memref<8192xf32, #tpu.memory_space<vmem>>, vector<16xf32>,
        %get3A_345 = vector.shape_cast %get3A_344 : vector<16xf32> to vector<16xf32>
        %add3A_346 = arith.constant 48 : i32
        %add3A_347 = arith.addi %mul3A_330, %add3A_346 : i32
        %get3A_348 = arith.index_cast %add3A_347 : i32 to index
        %get3A_349 = tpu.vector_load %arg6[%get3A_348] {strides = array<i32>} : memref<8192xf32, #tpu.memory_space<vmem>>, vector<16xf32>,
        %get3A_350 = vector.shape_cast %get3A_349 : vector<16xf32> to vector<16xf32>
        %add3A_351 = arith.constant 64 : i32
        %add3A_352 = arith.addi %mul3A_330, %add3A_351 : i32
        %get3A_353 = arith.index_cast %add3A_352 : i32 to index
        %get3A_354 = tpu.vector_load %arg6[%get3A_353] {strides = array<i32>} : memref<8192xf32, #tpu.memory_space<vmem>>, vector<16xf32>,
        %get3A_355 = vector.shape_cast %get3A_354 : vector<16xf32> to vector<16xf32>
        %add3A_356 = arith.constant 80 : i32
        %add3A_357 = arith.addi %mul3A_330, %add3A_356 : i32
        %get3A_358 = arith.index_cast %add3A_357 : i32 to index
        %get3A_359 = tpu.vector_load %arg6[%get3A_358] {strides = array<i32>} : memref<8192xf32, #tpu.memory_space<vmem>>, vector<16xf32>,
        %get3A_360 = vector.shape_cast %get3A_359 : vector<16xf32> to vector<16xf32>
        %add3A_361 = arith.constant 96 : i32
        %add3A_362 = arith.addi %mul3A_330, %add3A_361 : i32
        %get3A_363 = arith.index_cast %add3A_362 : i32 to index
        %get3A_364 = tpu.vector_load %arg6[%get3A_363] {strides = array<i32>} : memref<8192xf32, #tpu.memory_space<vmem>>, vector<16xf32>,
        %get3A_365 = vector.shape_cast %get3A_364 : vector<16xf32> to vector<16xf32>
        %add3A_366 = arith.constant 112 : i32
        %add3A_367 = arith.addi %mul3A_330, %add3A_366 : i32
        %get3A_368 = arith.index_cast %add3A_367 : i32 to index
        %get3A_369 = tpu.vector_load %arg6[%get3A_368] {strides = array<i32>} : memref<8192xf32, #tpu.memory_space<vmem>>, vector<16xf32>,
        %get3A_370 = vector.shape_cast %get3A_369 : vector<16xf32> to vector<16xf32>
        %add3A_371 = arith.constant 128 : i32
        %add3A_372 = arith.addi %mul3A_330, %add3A_371 : i32
        %get3A_373 = arith.index_cast %add3A_372 : i32 to index
        %get3A_374 = tpu.vector_load %arg6[%get3A_373] {strides = array<i32>} : memref<8192xf32, #tpu.memory_space<vmem>>, vector<16xf32>,
        %get3A_375 = vector.shape_cast %get3A_374 : vector<16xf32> to vector<16xf32>
        %add3A_376 = arith.constant 144 : i32
        %add3A_377 = arith.addi %mul3A_330, %add3A_376 : i32
        %get3A_378 = arith.index_cast %add3A_377 : i32 to index
        %get3A_379 = tpu.vector_load %arg6[%get3A_378] {strides = array<i32>} : memref<8192xf32, #tpu.memory_space<vmem>>, vector<16xf32>,
        %get3A_380 = vector.shape_cast %get3A_379 : vector<16xf32> to vector<16xf32>
        %add3A_381 = arith.constant 160 : i32
        %add3A_382 = arith.addi %mul3A_330, %add3A_381 : i32
        %get3A_383 = arith.index_cast %add3A_382 : i32 to index
        %get3A_384 = tpu.vector_load %arg6[%get3A_383] {strides = array<i32>} : memref<8192xf32, #tpu.memory_space<vmem>>, vector<16xf32>,
        %get3A_385 = vector.shape_cast %get3A_384 : vector<16xf32> to vector<16xf32>
        %add3A_386 = arith.constant 176 : i32
        %add3A_387 = arith.addi %mul3A_330, %add3A_386 : i32
        %get3A_388 = arith.index_cast %add3A_387 : i32 to index
        %get3A_389 = tpu.vector_load %arg6[%get3A_388] {strides = array<i32>} : memref<8192xf32, #tpu.memory_space<vmem>>, vector<16xf32>,
        %get3A_390 = vector.shape_cast %get3A_389 : vector<16xf32> to vector<16xf32>
        %add3A_391 = arith.constant 192 : i32
        %add3A_392 = arith.addi %mul3A_330, %add3A_391 : i32
        %get3A_393 = arith.index_cast %add3A_392 : i32 to index
        %get3A_394 = tpu.vector_load %arg6[%get3A_393] {strides = array<i32>} : memref<8192xf32, #tpu.memory_space<vmem>>, vector<16xf32>,
        %get3A_395 = vector.shape_cast %get3A_394 : vector<16xf32> to vector<16xf32>
        %add3A_396 = arith.constant 208 : i32
        %add3A_397 = arith.addi %mul3A_330, %add3A_396 : i32
        %get3A_398 = arith.index_cast %add3A_397 : i32 to index
        %get3A_399 = tpu.vector_load %arg6[%get3A_398] {strides = array<i32>} : memref<8192xf32, #tpu.memory_space<vmem>>, vector<16xf32>,
        %get3A_400 = vector.shape_cast %get3A_399 : vector<16xf32> to vector<16xf32>
        %add3A_401 = arith.constant 224 : i32
        %add3A_402 = arith.addi %mul3A_330, %add3A_401 : i32
        %get3A_403 = arith.index_cast %add3A_402 : i32 to index
        %get3A_404 = tpu.vector_load %arg6[%get3A_403] {strides = array<i32>} : memref<8192xf32, #tpu.memory_space<vmem>>, vector<16xf32>,
        %get3A_405 = vector.shape_cast %get3A_404 : vector<16xf32> to vector<16xf32>
        %add3A_406 = arith.constant 240 : i32
        %add3A_407 = arith.addi %mul3A_330, %add3A_406 : i32
        %get3A_408 = arith.index_cast %add3A_407 : i32 to index
        %get3A_409 = tpu.vector_load %arg6[%get3A_408] {strides = array<i32>} : memref<8192xf32, #tpu.memory_space<vmem>>, vector<16xf32>,
        %get3A_410 = vector.shape_cast %get3A_409 : vector<16xf32> to vector<16xf32>
        %add3A_411 = arith.constant 0 : i32
        %add3A_412 = arith.addi %mul3A_328, %add3A_411 : i32
        %swap3A = arith.index_cast %add3A_412 : i32 to index
        %swap3A_413 = tpu.vector_load %arg8[%swap3A] {strides = array<i32>} : memref<12288xf32, #tpu.memory_space<vmem>>, vector<16xf32>,
        %swap3A_414 = vector.shape_cast %swap3A_413 : vector<16xf32> to vector<16xf32>
        %swap3A_415 = vector.shape_cast %get3A_335 : vector<16xf32> to vector<16xf32>
        tpu.vector_store %arg8[%swap3A], %swap3A_415 {add = true, strides = array<i32>} : memref<12288xf32, #tpu.memory_space<vmem>>, vector<16xf32>,
        %add3A_416 = arith.constant 16 : i32
        %add3A_417 = arith.addi %mul3A_328, %add3A_416 : i32
        %swap3A_418 = arith.index_cast %add3A_417 : i32 to index
        %swap3A_419 = tpu.vector_load %arg8[%swap3A_418] {strides = array<i32>} : memref<12288xf32, #tpu.memory_space<vmem>>, vector<16xf32>,
        %swap3A_420 = vector.shape_cast %swap3A_419 : vector<16xf32> to vector<16xf32>
        %swap3A_421 = vector.shape_cast %get3A_340 : vector<16xf32> to vector<16xf32>
        tpu.vector_store %arg8[%swap3A_418], %swap3A_421 {add = true, strides = array<i32>} : memref<12288xf32, #tpu.memory_space<vmem>>, vector<16xf32>,
        %add3A_422 = arith.constant 32 : i32
        %add3A_423 = arith.addi %mul3A_328, %add3A_422 : i32
        %swap3A_424 = arith.index_cast %add3A_423 : i32 to index
        %swap3A_425 = tpu.vector_load %arg8[%swap3A_424] {strides = array<i32>} : memref<12288xf32, #tpu.memory_space<vmem>>, vector<16xf32>,
        %swap3A_426 = vector.shape_cast %swap3A_425 : vector<16xf32> to vector<16xf32>
        %swap3A_427 = vector.shape_cast %get3A_345 : vector<16xf32> to vector<16xf32>
        tpu.vector_store %arg8[%swap3A_424], %swap3A_427 {add = true, strides = array<i32>} : memref<12288xf32, #tpu.memory_space<vmem>>, vector<16xf32>,
        %add3A_428 = arith.constant 48 : i32
        %add3A_429 = arith.addi %mul3A_328, %add3A_428 : i32
        %swap3A_430 = arith.index_cast %add3A_429 : i32 to index
        %swap3A_431 = tpu.vector_load %arg8[%swap3A_430] {strides = array<i32>} : memref<12288xf32, #tpu.memory_space<vmem>>, vector<16xf32>,
        %swap3A_432 = vector.shape_cast %swap3A_431 : vector<16xf32> to vector<16xf32>
        %swap3A_433 = vector.shape_cast %get3A_350 : vector<16xf32> to vector<16xf32>
        tpu.vector_store %arg8[%swap3A_430], %swap3A_433 {add = true, strides = array<i32>} : memref<12288xf32, #tpu.memory_space<vmem>>, vector<16xf32>,
        %add3A_434 = arith.constant 64 : i32
        %add3A_435 = arith.addi %mul3A_328, %add3A_434 : i32
        %swap3A_436 = arith.index_cast %add3A_435 : i32 to index
        %swap3A_437 = tpu.vector_load %arg8[%swap3A_436] {strides = array<i32>} : memref<12288xf32, #tpu.memory_space<vmem>>, vector<16xf32>,
        %swap3A_438 = vector.shape_cast %swap3A_437 : vector<16xf32> to vector<16xf32>
        %swap3A_439 = vector.shape_cast %get3A_355 : vector<16xf32> to vector<16xf32>
        tpu.vector_store %arg8[%swap3A_436], %swap3A_439 {add = true, strides = array<i32>} : memref<12288xf32, #tpu.memory_space<vmem>>, vector<16xf32>,
        %add3A_440 = arith.constant 80 : i32
        %add3A_441 = arith.addi %mul3A_328, %add3A_440 : i32
        %swap3A_442 = arith.index_cast %add3A_441 : i32 to index
        %swap3A_443 = tpu.vector_load %arg8[%swap3A_442] {strides = array<i32>} : memref<12288xf32, #tpu.memory_space<vmem>>, vector<16xf32>,
        %swap3A_444 = vector.shape_cast %swap3A_443 : vector<16xf32> to vector<16xf32>
        %swap3A_445 = vector.shape_cast %get3A_360 : vector<16xf32> to vector<16xf32>
        tpu.vector_store %arg8[%swap3A_442], %swap3A_445 {add = true, strides = array<i32>} : memref<12288xf32, #tpu.memory_space<vmem>>, vector<16xf32>,
        %add3A_446 = arith.constant 96 : i32
        %add3A_447 = arith.addi %mul3A_328, %add3A_446 : i32
        %swap3A_448 = arith.index_cast %add3A_447 : i32 to index
        %swap3A_449 = tpu.vector_load %arg8[%swap3A_448] {strides = array<i32>} : memref<12288xf32, #tpu.memory_space<vmem>>, vector<16xf32>,
        %swap3A_450 = vector.shape_cast %swap3A_449 : vector<16xf32> to vector<16xf32>
        %swap3A_451 = vector.shape_cast %get3A_365 : vector<16xf32> to vector<16xf32>
        tpu.vector_store %arg8[%swap3A_448], %swap3A_451 {add = true, strides = array<i32>} : memref<12288xf32, #tpu.memory_space<vmem>>, vector<16xf32>,
        %add3A_452 = arith.constant 112 : i32
        %add3A_453 = arith.addi %mul3A_328, %add3A_452 : i32
        %swap3A_454 = arith.index_cast %add3A_453 : i32 to index
        %swap3A_455 = tpu.vector_load %arg8[%swap3A_454] {strides = array<i32>} : memref<12288xf32, #tpu.memory_space<vmem>>, vector<16xf32>,
        %swap3A_456 = vector.shape_cast %swap3A_455 : vector<16xf32> to vector<16xf32>
        %swap3A_457 = vector.shape_cast %get3A_370 : vector<16xf32> to vector<16xf32>
        tpu.vector_store %arg8[%swap3A_454], %swap3A_457 {add = true, strides = array<i32>} : memref<12288xf32, #tpu.memory_space<vmem>>, vector<16xf32>,
        %add3A_458 = arith.constant 128 : i32
        %add3A_459 = arith.addi %mul3A_328, %add3A_458 : i32
        %swap3A_460 = arith.index_cast %add3A_459 : i32 to index
        %swap3A_461 = tpu.vector_load %arg8[%swap3A_460] {strides = array<i32>} : memref<12288xf32, #tpu.memory_space<vmem>>, vector<16xf32>,
        %swap3A_462 = vector.shape_cast %swap3A_461 : vector<16xf32> to vector<16xf32>
        %swap3A_463 = vector.shape_cast %get3A_375 : vector<16xf32> to vector<16xf32>
        tpu.vector_store %arg8[%swap3A_460], %swap3A_463 {add = true, strides = array<i32>} : memref<12288xf32, #tpu.memory_space<vmem>>, vector<16xf32>,
        %add3A_464 = arith.constant 144 : i32
        %add3A_465 = arith.addi %mul3A_328, %add3A_464 : i32
        %swap3A_466 = arith.index_cast %add3A_465 : i32 to index
        %swap3A_467 = tpu.vector_load %arg8[%swap3A_466] {strides = array<i32>} : memref<12288xf32, #tpu.memory_space<vmem>>, vector<16xf32>,
        %swap3A_468 = vector.shape_cast %swap3A_467 : vector<16xf32> to vector<16xf32>
        %swap3A_469 = vector.shape_cast %get3A_380 : vector<16xf32> to vector<16xf32>
        tpu.vector_store %arg8[%swap3A_466], %swap3A_469 {add = true, strides = array<i32>} : memref<12288xf32, #tpu.memory_space<vmem>>, vector<16xf32>,
        %add3A_470 = arith.constant 160 : i32
        %add3A_471 = arith.addi %mul3A_328, %add3A_470 : i32
        %swap3A_472 = arith.index_cast %add3A_471 : i32 to index
        %swap3A_473 = tpu.vector_load %arg8[%swap3A_472] {strides = array<i32>} : memref<12288xf32, #tpu.memory_space<vmem>>, vector<16xf32>,
        %swap3A_474 = vector.shape_cast %swap3A_473 : vector<16xf32> to vector<16xf32>
        %swap3A_475 = vector.shape_cast %get3A_385 : vector<16xf32> to vector<16xf32>
        tpu.vector_store %arg8[%swap3A_472], %swap3A_475 {add = true, strides = array<i32>} : memref<12288xf32, #tpu.memory_space<vmem>>, vector<16xf32>,
        %add3A_476 = arith.constant 176 : i32
        %add3A_477 = arith.addi %mul3A_328, %add3A_476 : i32
        %swap3A_478 = arith.index_cast %add3A_477 : i32 to index
        %swap3A_479 = tpu.vector_load %arg8[%swap3A_478] {strides = array<i32>} : memref<12288xf32, #tpu.memory_space<vmem>>, vector<16xf32>,
        %swap3A_480 = vector.shape_cast %swap3A_479 : vector<16xf32> to vector<16xf32>
        %swap3A_481 = vector.shape_cast %get3A_390 : vector<16xf32> to vector<16xf32>
        tpu.vector_store %arg8[%swap3A_478], %swap3A_481 {add = true, strides = array<i32>} : memref<12288xf32, #tpu.memory_space<vmem>>, vector<16xf32>,
        %add3A_482 = arith.constant 192 : i32
        %add3A_483 = arith.addi %mul3A_328, %add3A_482 : i32
        %swap3A_484 = arith.index_cast %add3A_483 : i32 to index
        %swap3A_485 = tpu.vector_load %arg8[%swap3A_484] {strides = array<i32>} : memref<12288xf32, #tpu.memory_space<vmem>>, vector<16xf32>,
        %swap3A_486 = vector.shape_cast %swap3A_485 : vector<16xf32> to vector<16xf32>
        %swap3A_487 = vector.shape_cast %get3A_395 : vector<16xf32> to vector<16xf32>
        tpu.vector_store %arg8[%swap3A_484], %swap3A_487 {add = true, strides = array<i32>} : memref<12288xf32, #tpu.memory_space<vmem>>, vector<16xf32>,
        %add3A_488 = arith.constant 208 : i32
        %add3A_489 = arith.addi %mul3A_328, %add3A_488 : i32
        %swap3A_490 = arith.index_cast %add3A_489 : i32 to index
        %swap3A_491 = tpu.vector_load %arg8[%swap3A_490] {strides = array<i32>} : memref<12288xf32, #tpu.memory_space<vmem>>, vector<16xf32>,
        %swap3A_492 = vector.shape_cast %swap3A_491 : vector<16xf32> to vector<16xf32>
        %swap3A_493 = vector.shape_cast %get3A_400 : vector<16xf32> to vector<16xf32>
        tpu.vector_store %arg8[%swap3A_490], %swap3A_493 {add = true, strides = array<i32>} : memref<12288xf32, #tpu.memory_space<vmem>>, vector<16xf32>,
        %add3A_494 = arith.constant 224 : i32
        %add3A_495 = arith.addi %mul3A_328, %add3A_494 : i32
        %swap3A_496 = arith.index_cast %add3A_495 : i32 to index
        %swap3A_497 = tpu.vector_load %arg8[%swap3A_496] {strides = array<i32>} : memref<12288xf32, #tpu.memory_space<vmem>>, vector<16xf32>,
        %swap3A_498 = vector.shape_cast %swap3A_497 : vector<16xf32> to vector<16xf32>
        %swap3A_499 = vector.shape_cast %get3A_405 : vector<16xf32> to vector<16xf32>
        tpu.vector_store %arg8[%swap3A_496], %swap3A_499 {add = true, strides = array<i32>} : memref<12288xf32, #tpu.memory_space<vmem>>, vector<16xf32>,
        %add3A_500 = arith.constant 240 : i32
        %add3A_501 = arith.addi %mul3A_328, %add3A_500 : i32
        %swap3A_502 = arith.index_cast %add3A_501 : i32 to index
        %swap3A_503 = tpu.vector_load %arg8[%swap3A_502] {strides = array<i32>} : memref<12288xf32, #tpu.memory_space<vmem>>, vector<16xf32>,
        %swap3A_504 = vector.shape_cast %swap3A_503 : vector<16xf32> to vector<16xf32>
        %swap3A_505 = vector.shape_cast %get3A_410 : vector<16xf32> to vector<16xf32>
        tpu.vector_store %arg8[%swap3A_502], %swap3A_505 {add = true, strides = array<i32>} : memref<12288xf32, #tpu.memory_space<vmem>>, vector<16xf32>,
        %add3A_506 = arith.constant 256 : i32
        %add3A_507 = arith.addi %mul3A_328, %add3A_506 : i32
        %add3A_508 = arith.constant 0 : i32
        %add3A_509 = arith.addi %add3A_507, %add3A_508 : i32
        %swap3A_510 = arith.index_cast %add3A_509 : i32 to index
        %swap3A_511 = tpu.vector_load %arg8[%swap3A_510] {strides = array<i32>} : memref<12288xf32, #tpu.memory_space<vmem>>, vector<16xf32>,
        %swap3A_512 = vector.shape_cast %swap3A_511 : vector<16xf32> to vector<16xf32>
        %swap3A_513 = vector.shape_cast %get3A_53 : vector<16xf32> to vector<16xf32>
        tpu.vector_store %arg8[%swap3A_510], %swap3A_513 {add = true, strides = array<i32>} : memref<12288xf32, #tpu.memory_space<vmem>>, vector<16xf32>,
        %add3A_514 = arith.constant 256 : i32
        %add3A_515 = arith.addi %mul3A_328, %add3A_514 : i32
        %add3A_516 = arith.constant 16 : i32
        %add3A_517 = arith.addi %add3A_515, %add3A_516 : i32
        %swap3A_518 = arith.index_cast %add3A_517 : i32 to index
        %swap3A_519 = tpu.vector_load %arg8[%swap3A_518] {strides = array<i32>} : memref<12288xf32, #tpu.memory_space<vmem>>, vector<16xf32>,
        %swap3A_520 = vector.shape_cast %swap3A_519 : vector<16xf32> to vector<16xf32>
        %swap3A_521 = vector.shape_cast %get3A_58 : vector<16xf32> to vector<16xf32>
        tpu.vector_store %arg8[%swap3A_518], %swap3A_521 {add = true, strides = array<i32>} : memref<12288xf32, #tpu.memory_space<vmem>>, vector<16xf32>,
        %add3A_522 = arith.constant 256 : i32
        %add3A_523 = arith.addi %mul3A_328, %add3A_522 : i32
        %add3A_524 = arith.constant 32 : i32
        %add3A_525 = arith.addi %add3A_523, %add3A_524 : i32
        %swap3A_526 = arith.index_cast %add3A_525 : i32 to index
        %swap3A_527 = tpu.vector_load %arg8[%swap3A_526] {strides = array<i32>} : memref<12288xf32, #tpu.memory_space<vmem>>, vector<16xf32>,
        %swap3A_528 = vector.shape_cast %swap3A_527 : vector<16xf32> to vector<16xf32>
        %swap3A_529 = vector.shape_cast %get3A_63 : vector<16xf32> to vector<16xf32>
        tpu.vector_store %arg8[%swap3A_526], %swap3A_529 {add = true, strides = array<i32>} : memref<12288xf32, #tpu.memory_space<vmem>>, vector<16xf32>,
        %add3A_530 = arith.constant 256 : i32
        %add3A_531 = arith.addi %mul3A_328, %add3A_530 : i32
        %add3A_532 = arith.constant 48 : i32
        %add3A_533 = arith.addi %add3A_531, %add3A_532 : i32
        %swap3A_534 = arith.index_cast %add3A_533 : i32 to index
        %swap3A_535 = tpu.vector_load %arg8[%swap3A_534] {strides = array<i32>} : memref<12288xf32, #tpu.memory_space<vmem>>, vector<16xf32>,
        %swap3A_536 = vector.shape_cast %swap3A_535 : vector<16xf32> to vector<16xf32>
        %swap3A_537 = vector.shape_cast %get3A_68 : vector<16xf32> to vector<16xf32>
        tpu.vector_store %arg8[%swap3A_534], %swap3A_537 {add = true, strides = array<i32>} : memref<12288xf32, #tpu.memory_space<vmem>>, vector<16xf32>,
        %add3A_538 = arith.constant 256 : i32
        %add3A_539 = arith.addi %mul3A_328, %add3A_538 : i32
        %add3A_540 = arith.constant 64 : i32
        %add3A_541 = arith.addi %add3A_539, %add3A_540 : i32
        %swap3A_542 = arith.index_cast %add3A_541 : i32 to index
        %swap3A_543 = tpu.vector_load %arg8[%swap3A_542] {strides = array<i32>} : memref<12288xf32, #tpu.memory_space<vmem>>, vector<16xf32>,
        %swap3A_544 = vector.shape_cast %swap3A_543 : vector<16xf32> to vector<16xf32>
        %swap3A_545 = vector.shape_cast %get3A_73 : vector<16xf32> to vector<16xf32>
        tpu.vector_store %arg8[%swap3A_542], %swap3A_545 {add = true, strides = array<i32>} : memref<12288xf32, #tpu.memory_space<vmem>>, vector<16xf32>,
        %add3A_546 = arith.constant 256 : i32
        %add3A_547 = arith.addi %mul3A_328, %add3A_546 : i32
        %add3A_548 = arith.constant 80 : i32
        %add3A_549 = arith.addi %add3A_547, %add3A_548 : i32
        %swap3A_550 = arith.index_cast %add3A_549 : i32 to index
        %swap3A_551 = tpu.vector_load %arg8[%swap3A_550] {strides = array<i32>} : memref<12288xf32, #tpu.memory_space<vmem>>, vector<16xf32>,
        %swap3A_552 = vector.shape_cast %swap3A_551 : vector<16xf32> to vector<16xf32>
        %swap3A_553 = vector.shape_cast %get3A_78 : vector<16xf32> to vector<16xf32>
        tpu.vector_store %arg8[%swap3A_550], %swap3A_553 {add = true, strides = array<i32>} : memref<12288xf32, #tpu.memory_space<vmem>>, vector<16xf32>,
        %add3A_554 = arith.constant 256 : i32
        %add3A_555 = arith.addi %mul3A_328, %add3A_554 : i32
        %add3A_556 = arith.constant 96 : i32
        %add3A_557 = arith.addi %add3A_555, %add3A_556 : i32
        %swap3A_558 = arith.index_cast %add3A_557 : i32 to index
        %swap3A_559 = tpu.vector_load %arg8[%swap3A_558] {strides = array<i32>} : memref<12288xf32, #tpu.memory_space<vmem>>, vector<16xf32>,
        %swap3A_560 = vector.shape_cast %swap3A_559 : vector<16xf32> to vector<16xf32>
        %swap3A_561 = vector.shape_cast %get3A_83 : vector<16xf32> to vector<16xf32>
        tpu.vector_store %arg8[%swap3A_558], %swap3A_561 {add = true, strides = array<i32>} : memref<12288xf32, #tpu.memory_space<vmem>>, vector<16xf32>,
        %add3A_562 = arith.constant 256 : i32
        %add3A_563 = arith.addi %mul3A_328, %add3A_562 : i32
        %add3A_564 = arith.constant 112 : i32
        %add3A_565 = arith.addi %add3A_563, %add3A_564 : i32
        %swap3A_566 = arith.index_cast %add3A_565 : i32 to index
        %swap3A_567 = tpu.vector_load %arg8[%swap3A_566] {strides = array<i32>} : memref<12288xf32, #tpu.memory_space<vmem>>, vector<16xf32>,
        %swap3A_568 = vector.shape_cast %swap3A_567 : vector<16xf32> to vector<16xf32>
        %swap3A_569 = vector.shape_cast %get3A_88 : vector<16xf32> to vector<16xf32>
        tpu.vector_store %arg8[%swap3A_566], %swap3A_569 {add = true, strides = array<i32>} : memref<12288xf32, #tpu.memory_space<vmem>>, vector<16xf32>,
      }
      %scan3A_93 = arith.constant 32 : i32
      %mul3A_94 = arith.constant 1024 : i32
      %mul3A_95 = arith.muli %add3A_42, %mul3A_94 : i32
      %mul3A_96 = arith.constant 32 : i32
      %mul3A_97 = arith.muli %add3A, %mul3A_96 : i32
      %add3A_98 = arith.addi %mul3A_95, %mul3A_97 : i32
      %mul3A_99 = arith.constant 384 : i32
      %mul3A_100 = arith.muli %add3A_98, %mul3A_99 : i32
      %dma_start3A_101 = tpu.memref_slice %arg5[%mul3A_100] : memref<25165824xf32, #tpu.memory_space<hbm>> -> memref<12288xf32, #tpu.memory_space<hbm>>
      %dma_start3A_102 = tpu.memref_slice %arg5[%mul3A_100] : memref<25165824xf32, #tpu.memory_space<hbm>> -> memref<12288xf32, #tpu.memory_space<hbm>>
      tpu.enqueue_dma source(%arg8 : memref<12288xf32, #tpu.memory_space<vmem>>) target(%dma_start3A_102 : memref<12288xf32, #tpu.memory_space<hbm>>) target_semaphore(%arg16 : memref<!tpu.dma_semaphore, #tpu.memory_space<semaphore_mem>>)
      %add3A_103 = arith.constant 2 : i32
      %add3A_104 = arith.addi %add3A_42, %add3A_103 : i32
      %lt3A = arith.constant 64 : i32
      %lt3A_105 = arith.cmpi slt, %add3A_104, %lt3A : i32
      %convert_element_type3A = arith.extui %lt3A_105 : i1 to i32
      %cond3A = arith.constant 0 : i32
      %cond3A_106 = arith.cmpi ne, %convert_element_type3A, %cond3A : i32
      scf.if %cond3A_106 {
        %ge3A = arith.constant 2 : i32
        %ge3A_326 = arith.cmpi sge, %add3A_42, %ge3A : i32
        %convert_element_type3A_327 = arith.extui %ge3A_326 : i1 to i32
        %cond3A_328 = arith.constant 0 : i32
        %cond3A_329 = arith.cmpi ne, %convert_element_type3A_327, %cond3A_328 : i32
        scf.if %cond3A_329 {
          %dma_wait3A_339 = arith.constant 0 : i32
          %dma_wait3A_340 = tpu.memref_slice %arg5[%dma_wait3A_339] : memref<25165824xf32, #tpu.memory_space<hbm>> -> memref<12288xf32, #tpu.memory_space<hbm>>
          %dma_wait3A_341 = arith.constant 0 : i32
          %dma_wait3A_342 = tpu.memref_slice %arg5[%dma_wait3A_341] : memref<25165824xf32, #tpu.memory_space<hbm>> -> memref<12288xf32, #tpu.memory_space<hbm>>
          tpu.wait_dma2 semaphore(%arg18 : memref<!tpu.dma_semaphore, #tpu.memory_space<semaphore_mem>>) src(%arg10 : memref<12288xf32, #tpu.memory_space<vmem>>) dst(%dma_wait3A_342 : memref<12288xf32, #tpu.memory_space<hbm>>)
        } else {
        }
        %mul3A_330 = arith.constant 1024 : i32
        %mul3A_331 = arith.muli %add3A_104, %mul3A_330 : i32
        %mul3A_332 = arith.constant 32 : i32
        %mul3A_333 = arith.muli %add3A, %mul3A_332 : i32
        %add3A_334 = arith.addi %mul3A_331, %mul3A_333 : i32
        %mul3A_335 = arith.constant 384 : i32
        %mul3A_336 = arith.muli %add3A_334, %mul3A_335 : i32
        %dma_start3A_337 = tpu.memref_slice %arg2[%mul3A_336] : memref<25165824xf32, #tpu.memory_space<hbm>> -> memref<12288xf32, #tpu.memory_space<hbm>>
        %dma_start3A_338 = tpu.memref_slice %arg2[%mul3A_336] : memref<25165824xf32, #tpu.memory_space<hbm>> -> memref<12288xf32, #tpu.memory_space<hbm>>
        tpu.enqueue_dma source(%dma_start3A_338 : memref<12288xf32, #tpu.memory_space<hbm>>) target(%arg10 : memref<12288xf32, #tpu.memory_space<vmem>>) target_semaphore(%arg14 : memref<!tpu.dma_semaphore, #tpu.memory_space<semaphore_mem>>)
      } else {
      }
      %mul3A_107 = arith.constant 4 : i32
      %mul3A_108 = arith.muli %scan3A_38, %mul3A_107 : i32
      %add3A_109 = arith.constant 1 : i32
      %add3A_110 = arith.addi %mul3A_108, %add3A_109 : i32
      %dma_wait3A_111 = arith.constant 0 : i32
      %dma_wait3A_112 = tpu.memref_slice %arg2[%dma_wait3A_111] : memref<25165824xf32, #tpu.memory_space<hbm>> -> memref<12288xf32, #tpu.memory_space<hbm>>
      %dma_wait3A_113 = arith.constant 0 : i32
      %dma_wait3A_114 = tpu.memref_slice %arg2[%dma_wait3A_113] : memref<25165824xf32, #tpu.memory_space<hbm>> -> memref<12288xf32, #tpu.memory_space<hbm>>
      tpu.wait_dma2 semaphore(%arg13 : memref<!tpu.dma_semaphore, #tpu.memory_space<semaphore_mem>>) src(%dma_wait3A_114 : memref<12288xf32, #tpu.memory_space<hbm>>) dst(%arg9 : memref<12288xf32, #tpu.memory_space<vmem>>)
      %rem3A_115 = arith.constant 16 : i32
      %rem3A_116 = arith.remsi %add3A_110, %rem3A_115 : i32
      %mul3A_117 = arith.constant 128 : i32
      %mul3A_118 = arith.muli %rem3A_116, %mul3A_117 : i32
      %add3A_119 = arith.constant 0 : i32
      %add3A_120 = arith.addi %mul3A_118, %add3A_119 : i32
      %get3A_121 = arith.index_cast %add3A_120 : i32 to index
      %get3A_122 = tpu.vector_load %arg7[%get3A_121] {strides = array<i32>} : memref<2048xf32, #tpu.memory_space<vmem>>, vector<16xf32>,
      %get3A_123 = vector.shape_cast %get3A_122 : vector<16xf32> to vector<16xf32>
      %add3A_124 = arith.constant 16 : i32
      %add3A_125 = arith.addi %mul3A_118, %add3A_124 : i32
      %get3A_126 = arith.index_cast %add3A_125 : i32 to index
      %get3A_127 = tpu.vector_load %arg7[%get3A_126] {strides = array<i32>} : memref<2048xf32, #tpu.memory_space<vmem>>, vector<16xf32>,
      %get3A_128 = vector.shape_cast %get3A_127 : vector<16xf32> to vector<16xf32>
      %add3A_129 = arith.constant 32 : i32
      %add3A_130 = arith.addi %mul3A_118, %add3A_129 : i32
      %get3A_131 = arith.index_cast %add3A_130 : i32 to index
      %get3A_132 = tpu.vector_load %arg7[%get3A_131] {strides = array<i32>} : memref<2048xf32, #tpu.memory_space<vmem>>, vector<16xf32>,
      %get3A_133 = vector.shape_cast %get3A_132 : vector<16xf32> to vector<16xf32>
      %add3A_134 = arith.constant 48 : i32
      %add3A_135 = arith.addi %mul3A_118, %add3A_134 : i32
      %get3A_136 = arith.index_cast %add3A_135 : i32 to index
      %get3A_137 = tpu.vector_load %arg7[%get3A_136] {strides = array<i32>} : memref<2048xf32, #tpu.memory_space<vmem>>, vector<16xf32>,
      %get3A_138 = vector.shape_cast %get3A_137 : vector<16xf32> to vector<16xf32>
      %add3A_139 = arith.constant 64 : i32
      %add3A_140 = arith.addi %mul3A_118, %add3A_139 : i32
      %get3A_141 = arith.index_cast %add3A_140 : i32 to index
      %get3A_142 = tpu.vector_load %arg7[%get3A_141] {strides = array<i32>} : memref<2048xf32, #tpu.memory_space<vmem>>, vector<16xf32>,
      %get3A_143 = vector.shape_cast %get3A_142 : vector<16xf32> to vector<16xf32>
      %add3A_144 = arith.constant 80 : i32
      %add3A_145 = arith.addi %mul3A_118, %add3A_144 : i32
      %get3A_146 = arith.index_cast %add3A_145 : i32 to index
      %get3A_147 = tpu.vector_load %arg7[%get3A_146] {strides = array<i32>} : memref<2048xf32, #tpu.memory_space<vmem>>, vector<16xf32>,
      %get3A_148 = vector.shape_cast %get3A_147 : vector<16xf32> to vector<16xf32>
      %add3A_149 = arith.constant 96 : i32
      %add3A_150 = arith.addi %mul3A_118, %add3A_149 : i32
      %get3A_151 = arith.index_cast %add3A_150 : i32 to index
      %get3A_152 = tpu.vector_load %arg7[%get3A_151] {strides = array<i32>} : memref<2048xf32, #tpu.memory_space<vmem>>, vector<16xf32>,
      %get3A_153 = vector.shape_cast %get3A_152 : vector<16xf32> to vector<16xf32>
      %add3A_154 = arith.constant 112 : i32
      %add3A_155 = arith.addi %mul3A_118, %add3A_154 : i32
      %get3A_156 = arith.index_cast %add3A_155 : i32 to index
      %get3A_157 = tpu.vector_load %arg7[%get3A_156] {strides = array<i32>} : memref<2048xf32, #tpu.memory_space<vmem>>, vector<16xf32>,
      %get3A_158 = vector.shape_cast %get3A_157 : vector<16xf32> to vector<16xf32>
      %scan3A_159 = arith.constant 0 : i32
      %scan3A_160 = arith.constant 32 : i32
      %scan3A_161 = arith.addi %scan3A_159, %scan3A_160 : i32
      %scan3A_162 = arith.constant 1 : i32
      scf.for %scan3A_326 = %scan3A_159 to %scan3A_161 step %scan3A_162  : i32 {
        %mul3A_327 = arith.constant 384 : i32
        %mul3A_328 = arith.muli %scan3A_326, %mul3A_327 : i32
        %mul3A_329 = arith.constant 256 : i32
        %mul3A_330 = arith.muli %scan3A_326, %mul3A_329 : i32
        %add3A_331 = arith.constant 0 : i32
        %add3A_332 = arith.addi %mul3A_330, %add3A_331 : i32
        %get3A_333 = arith.index_cast %add3A_332 : i32 to index
        %get3A_334 = tpu.vector_load %arg6[%get3A_333] {strides = array<i32>} : memref<8192xf32, #tpu.memory_space<vmem>>, vector<16xf32>,
        %get3A_335 = vector.shape_cast %get3A_334 : vector<16xf32> to vector<16xf32>
        %add3A_336 = arith.constant 16 : i32
        %add3A_337 = arith.addi %mul3A_330, %add3A_336 : i32
        %get3A_338 = arith.index_cast %add3A_337 : i32 to index
        %get3A_339 = tpu.vector_load %arg6[%get3A_338] {strides = array<i32>} : memref<8192xf32, #tpu.memory_space<vmem>>, vector<16xf32>,
        %get3A_340 = vector.shape_cast %get3A_339 : vector<16xf32> to vector<16xf32>
        %add3A_341 = arith.constant 32 : i32
        %add3A_342 = arith.addi %mul3A_330, %add3A_341 : i32
        %get3A_343 = arith.index_cast %add3A_342 : i32 to index
        %get3A_344 = tpu.vector_load %arg6[%get3A_343] {strides = array<i32>} : memref<8192xf32, #tpu.memory_space<vmem>>, vector<16xf32>,
        %get3A_345 = vector.shape_cast %get3A_344 : vector<16xf32> to vector<16xf32>
        %add3A_346 = arith.constant 48 : i32
        %add3A_347 = arith.addi %mul3A_330, %add3A_346 : i32
        %get3A_348 = arith.index_cast %add3A_347 : i32 to index
        %get3A_349 = tpu.vector_load %arg6[%get3A_348] {strides = array<i32>} : memref<8192xf32, #tpu.memory_space<vmem>>, vector<16xf32>,
        %get3A_350 = vector.shape_cast %get3A_349 : vector<16xf32> to vector<16xf32>
        %add3A_351 = arith.constant 64 : i32
        %add3A_352 = arith.addi %mul3A_330, %add3A_351 : i32
        %get3A_353 = arith.index_cast %add3A_352 : i32 to index
        %get3A_354 = tpu.vector_load %arg6[%get3A_353] {strides = array<i32>} : memref<8192xf32, #tpu.memory_space<vmem>>, vector<16xf32>,
        %get3A_355 = vector.shape_cast %get3A_354 : vector<16xf32> to vector<16xf32>
        %add3A_356 = arith.constant 80 : i32
        %add3A_357 = arith.addi %mul3A_330, %add3A_356 : i32
        %get3A_358 = arith.index_cast %add3A_357 : i32 to index
        %get3A_359 = tpu.vector_load %arg6[%get3A_358] {strides = array<i32>} : memref<8192xf32, #tpu.memory_space<vmem>>, vector<16xf32>,
        %get3A_360 = vector.shape_cast %get3A_359 : vector<16xf32> to vector<16xf32>
        %add3A_361 = arith.constant 96 : i32
        %add3A_362 = arith.addi %mul3A_330, %add3A_361 : i32
        %get3A_363 = arith.index_cast %add3A_362 : i32 to index
        %get3A_364 = tpu.vector_load %arg6[%get3A_363] {strides = array<i32>} : memref<8192xf32, #tpu.memory_space<vmem>>, vector<16xf32>,
        %get3A_365 = vector.shape_cast %get3A_364 : vector<16xf32> to vector<16xf32>
        %add3A_366 = arith.constant 112 : i32
        %add3A_367 = arith.addi %mul3A_330, %add3A_366 : i32
        %get3A_368 = arith.index_cast %add3A_367 : i32 to index
        %get3A_369 = tpu.vector_load %arg6[%get3A_368] {strides = array<i32>} : memref<8192xf32, #tpu.memory_space<vmem>>, vector<16xf32>,
        %get3A_370 = vector.shape_cast %get3A_369 : vector<16xf32> to vector<16xf32>
        %add3A_371 = arith.constant 128 : i32
        %add3A_372 = arith.addi %mul3A_330, %add3A_371 : i32
        %get3A_373 = arith.index_cast %add3A_372 : i32 to index
        %get3A_374 = tpu.vector_load %arg6[%get3A_373] {strides = array<i32>} : memref<8192xf32, #tpu.memory_space<vmem>>, vector<16xf32>,
        %get3A_375 = vector.shape_cast %get3A_374 : vector<16xf32> to vector<16xf32>
        %add3A_376 = arith.constant 144 : i32
        %add3A_377 = arith.addi %mul3A_330, %add3A_376 : i32
        %get3A_378 = arith.index_cast %add3A_377 : i32 to index
        %get3A_379 = tpu.vector_load %arg6[%get3A_378] {strides = array<i32>} : memref<8192xf32, #tpu.memory_space<vmem>>, vector<16xf32>,
        %get3A_380 = vector.shape_cast %get3A_379 : vector<16xf32> to vector<16xf32>
        %add3A_381 = arith.constant 160 : i32
        %add3A_382 = arith.addi %mul3A_330, %add3A_381 : i32
        %get3A_383 = arith.index_cast %add3A_382 : i32 to index
        %get3A_384 = tpu.vector_load %arg6[%get3A_383] {strides = array<i32>} : memref<8192xf32, #tpu.memory_space<vmem>>, vector<16xf32>,
        %get3A_385 = vector.shape_cast %get3A_384 : vector<16xf32> to vector<16xf32>
        %add3A_386 = arith.constant 176 : i32
        %add3A_387 = arith.addi %mul3A_330, %add3A_386 : i32
        %get3A_388 = arith.index_cast %add3A_387 : i32 to index
        %get3A_389 = tpu.vector_load %arg6[%get3A_388] {strides = array<i32>} : memref<8192xf32, #tpu.memory_space<vmem>>, vector<16xf32>,
        %get3A_390 = vector.shape_cast %get3A_389 : vector<16xf32> to vector<16xf32>
        %add3A_391 = arith.constant 192 : i32
        %add3A_392 = arith.addi %mul3A_330, %add3A_391 : i32
        %get3A_393 = arith.index_cast %add3A_392 : i32 to index
        %get3A_394 = tpu.vector_load %arg6[%get3A_393] {strides = array<i32>} : memref<8192xf32, #tpu.memory_space<vmem>>, vector<16xf32>,
        %get3A_395 = vector.shape_cast %get3A_394 : vector<16xf32> to vector<16xf32>
        %add3A_396 = arith.constant 208 : i32
        %add3A_397 = arith.addi %mul3A_330, %add3A_396 : i32
        %get3A_398 = arith.index_cast %add3A_397 : i32 to index
        %get3A_399 = tpu.vector_load %arg6[%get3A_398] {strides = array<i32>} : memref<8192xf32, #tpu.memory_space<vmem>>, vector<16xf32>,
        %get3A_400 = vector.shape_cast %get3A_399 : vector<16xf32> to vector<16xf32>
        %add3A_401 = arith.constant 224 : i32
        %add3A_402 = arith.addi %mul3A_330, %add3A_401 : i32
        %get3A_403 = arith.index_cast %add3A_402 : i32 to index
        %get3A_404 = tpu.vector_load %arg6[%get3A_403] {strides = array<i32>} : memref<8192xf32, #tpu.memory_space<vmem>>, vector<16xf32>,
        %get3A_405 = vector.shape_cast %get3A_404 : vector<16xf32> to vector<16xf32>
        %add3A_406 = arith.constant 240 : i32
        %add3A_407 = arith.addi %mul3A_330, %add3A_406 : i32
        %get3A_408 = arith.index_cast %add3A_407 : i32 to index
        %get3A_409 = tpu.vector_load %arg6[%get3A_408] {strides = array<i32>} : memref<8192xf32, #tpu.memory_space<vmem>>, vector<16xf32>,
        %get3A_410 = vector.shape_cast %get3A_409 : vector<16xf32> to vector<16xf32>
        %add3A_411 = arith.constant 0 : i32
        %add3A_412 = arith.addi %mul3A_328, %add3A_411 : i32
        %swap3A = arith.index_cast %add3A_412 : i32 to index
        %swap3A_413 = tpu.vector_load %arg9[%swap3A] {strides = array<i32>} : memref<12288xf32, #tpu.memory_space<vmem>>, vector<16xf32>,
        %swap3A_414 = vector.shape_cast %swap3A_413 : vector<16xf32> to vector<16xf32>
        %swap3A_415 = vector.shape_cast %get3A_335 : vector<16xf32> to vector<16xf32>
        tpu.vector_store %arg9[%swap3A], %swap3A_415 {add = true, strides = array<i32>} : memref<12288xf32, #tpu.memory_space<vmem>>, vector<16xf32>,
        %add3A_416 = arith.constant 16 : i32
        %add3A_417 = arith.addi %mul3A_328, %add3A_416 : i32
        %swap3A_418 = arith.index_cast %add3A_417 : i32 to index
        %swap3A_419 = tpu.vector_load %arg9[%swap3A_418] {strides = array<i32>} : memref<12288xf32, #tpu.memory_space<vmem>>, vector<16xf32>,
        %swap3A_420 = vector.shape_cast %swap3A_419 : vector<16xf32> to vector<16xf32>
        %swap3A_421 = vector.shape_cast %get3A_340 : vector<16xf32> to vector<16xf32>
        tpu.vector_store %arg9[%swap3A_418], %swap3A_421 {add = true, strides = array<i32>} : memref<12288xf32, #tpu.memory_space<vmem>>, vector<16xf32>,
        %add3A_422 = arith.constant 32 : i32
        %add3A_423 = arith.addi %mul3A_328, %add3A_422 : i32
        %swap3A_424 = arith.index_cast %add3A_423 : i32 to index
        %swap3A_425 = tpu.vector_load %arg9[%swap3A_424] {strides = array<i32>} : memref<12288xf32, #tpu.memory_space<vmem>>, vector<16xf32>,
        %swap3A_426 = vector.shape_cast %swap3A_425 : vector<16xf32> to vector<16xf32>
        %swap3A_427 = vector.shape_cast %get3A_345 : vector<16xf32> to vector<16xf32>
        tpu.vector_store %arg9[%swap3A_424], %swap3A_427 {add = true, strides = array<i32>} : memref<12288xf32, #tpu.memory_space<vmem>>, vector<16xf32>,
        %add3A_428 = arith.constant 48 : i32
        %add3A_429 = arith.addi %mul3A_328, %add3A_428 : i32
        %swap3A_430 = arith.index_cast %add3A_429 : i32 to index
        %swap3A_431 = tpu.vector_load %arg9[%swap3A_430] {strides = array<i32>} : memref<12288xf32, #tpu.memory_space<vmem>>, vector<16xf32>,
        %swap3A_432 = vector.shape_cast %swap3A_431 : vector<16xf32> to vector<16xf32>
        %swap3A_433 = vector.shape_cast %get3A_350 : vector<16xf32> to vector<16xf32>
        tpu.vector_store %arg9[%swap3A_430], %swap3A_433 {add = true, strides = array<i32>} : memref<12288xf32, #tpu.memory_space<vmem>>, vector<16xf32>,
        %add3A_434 = arith.constant 64 : i32
        %add3A_435 = arith.addi %mul3A_328, %add3A_434 : i32
        %swap3A_436 = arith.index_cast %add3A_435 : i32 to index
        %swap3A_437 = tpu.vector_load %arg9[%swap3A_436] {strides = array<i32>} : memref<12288xf32, #tpu.memory_space<vmem>>, vector<16xf32>,
        %swap3A_438 = vector.shape_cast %swap3A_437 : vector<16xf32> to vector<16xf32>
        %swap3A_439 = vector.shape_cast %get3A_355 : vector<16xf32> to vector<16xf32>
        tpu.vector_store %arg9[%swap3A_436], %swap3A_439 {add = true, strides = array<i32>} : memref<12288xf32, #tpu.memory_space<vmem>>, vector<16xf32>,
        %add3A_440 = arith.constant 80 : i32
        %add3A_441 = arith.addi %mul3A_328, %add3A_440 : i32
        %swap3A_442 = arith.index_cast %add3A_441 : i32 to index
        %swap3A_443 = tpu.vector_load %arg9[%swap3A_442] {strides = array<i32>} : memref<12288xf32, #tpu.memory_space<vmem>>, vector<16xf32>,
        %swap3A_444 = vector.shape_cast %swap3A_443 : vector<16xf32> to vector<16xf32>
        %swap3A_445 = vector.shape_cast %get3A_360 : vector<16xf32> to vector<16xf32>
        tpu.vector_store %arg9[%swap3A_442], %swap3A_445 {add = true, strides = array<i32>} : memref<12288xf32, #tpu.memory_space<vmem>>, vector<16xf32>,
        %add3A_446 = arith.constant 96 : i32
        %add3A_447 = arith.addi %mul3A_328, %add3A_446 : i32
        %swap3A_448 = arith.index_cast %add3A_447 : i32 to index
        %swap3A_449 = tpu.vector_load %arg9[%swap3A_448] {strides = array<i32>} : memref<12288xf32, #tpu.memory_space<vmem>>, vector<16xf32>,
        %swap3A_450 = vector.shape_cast %swap3A_449 : vector<16xf32> to vector<16xf32>
        %swap3A_451 = vector.shape_cast %get3A_365 : vector<16xf32> to vector<16xf32>
        tpu.vector_store %arg9[%swap3A_448], %swap3A_451 {add = true, strides = array<i32>} : memref<12288xf32, #tpu.memory_space<vmem>>, vector<16xf32>,
        %add3A_452 = arith.constant 112 : i32
        %add3A_453 = arith.addi %mul3A_328, %add3A_452 : i32
        %swap3A_454 = arith.index_cast %add3A_453 : i32 to index
        %swap3A_455 = tpu.vector_load %arg9[%swap3A_454] {strides = array<i32>} : memref<12288xf32, #tpu.memory_space<vmem>>, vector<16xf32>,
        %swap3A_456 = vector.shape_cast %swap3A_455 : vector<16xf32> to vector<16xf32>
        %swap3A_457 = vector.shape_cast %get3A_370 : vector<16xf32> to vector<16xf32>
        tpu.vector_store %arg9[%swap3A_454], %swap3A_457 {add = true, strides = array<i32>} : memref<12288xf32, #tpu.memory_space<vmem>>, vector<16xf32>,
        %add3A_458 = arith.constant 128 : i32
        %add3A_459 = arith.addi %mul3A_328, %add3A_458 : i32
        %swap3A_460 = arith.index_cast %add3A_459 : i32 to index
        %swap3A_461 = tpu.vector_load %arg9[%swap3A_460] {strides = array<i32>} : memref<12288xf32, #tpu.memory_space<vmem>>, vector<16xf32>,
        %swap3A_462 = vector.shape_cast %swap3A_461 : vector<16xf32> to vector<16xf32>
        %swap3A_463 = vector.shape_cast %get3A_375 : vector<16xf32> to vector<16xf32>
        tpu.vector_store %arg9[%swap3A_460], %swap3A_463 {add = true, strides = array<i32>} : memref<12288xf32, #tpu.memory_space<vmem>>, vector<16xf32>,
        %add3A_464 = arith.constant 144 : i32
        %add3A_465 = arith.addi %mul3A_328, %add3A_464 : i32
        %swap3A_466 = arith.index_cast %add3A_465 : i32 to index
        %swap3A_467 = tpu.vector_load %arg9[%swap3A_466] {strides = array<i32>} : memref<12288xf32, #tpu.memory_space<vmem>>, vector<16xf32>,
        %swap3A_468 = vector.shape_cast %swap3A_467 : vector<16xf32> to vector<16xf32>
        %swap3A_469 = vector.shape_cast %get3A_380 : vector<16xf32> to vector<16xf32>
        tpu.vector_store %arg9[%swap3A_466], %swap3A_469 {add = true, strides = array<i32>} : memref<12288xf32, #tpu.memory_space<vmem>>, vector<16xf32>,
        %add3A_470 = arith.constant 160 : i32
        %add3A_471 = arith.addi %mul3A_328, %add3A_470 : i32
        %swap3A_472 = arith.index_cast %add3A_471 : i32 to index
        %swap3A_473 = tpu.vector_load %arg9[%swap3A_472] {strides = array<i32>} : memref<12288xf32, #tpu.memory_space<vmem>>, vector<16xf32>,
        %swap3A_474 = vector.shape_cast %swap3A_473 : vector<16xf32> to vector<16xf32>
        %swap3A_475 = vector.shape_cast %get3A_385 : vector<16xf32> to vector<16xf32>
        tpu.vector_store %arg9[%swap3A_472], %swap3A_475 {add = true, strides = array<i32>} : memref<12288xf32, #tpu.memory_space<vmem>>, vector<16xf32>,
        %add3A_476 = arith.constant 176 : i32
        %add3A_477 = arith.addi %mul3A_328, %add3A_476 : i32
        %swap3A_478 = arith.index_cast %add3A_477 : i32 to index
        %swap3A_479 = tpu.vector_load %arg9[%swap3A_478] {strides = array<i32>} : memref<12288xf32, #tpu.memory_space<vmem>>, vector<16xf32>,
        %swap3A_480 = vector.shape_cast %swap3A_479 : vector<16xf32> to vector<16xf32>
        %swap3A_481 = vector.shape_cast %get3A_390 : vector<16xf32> to vector<16xf32>
        tpu.vector_store %arg9[%swap3A_478], %swap3A_481 {add = true, strides = array<i32>} : memref<12288xf32, #tpu.memory_space<vmem>>, vector<16xf32>,
        %add3A_482 = arith.constant 192 : i32
        %add3A_483 = arith.addi %mul3A_328, %add3A_482 : i32
        %swap3A_484 = arith.index_cast %add3A_483 : i32 to index
        %swap3A_485 = tpu.vector_load %arg9[%swap3A_484] {strides = array<i32>} : memref<12288xf32, #tpu.memory_space<vmem>>, vector<16xf32>,
        %swap3A_486 = vector.shape_cast %swap3A_485 : vector<16xf32> to vector<16xf32>
        %swap3A_487 = vector.shape_cast %get3A_395 : vector<16xf32> to vector<16xf32>
        tpu.vector_store %arg9[%swap3A_484], %swap3A_487 {add = true, strides = array<i32>} : memref<12288xf32, #tpu.memory_space<vmem>>, vector<16xf32>,
        %add3A_488 = arith.constant 208 : i32
        %add3A_489 = arith.addi %mul3A_328, %add3A_488 : i32
        %swap3A_490 = arith.index_cast %add3A_489 : i32 to index
        %swap3A_491 = tpu.vector_load %arg9[%swap3A_490] {strides = array<i32>} : memref<12288xf32, #tpu.memory_space<vmem>>, vector<16xf32>,
        %swap3A_492 = vector.shape_cast %swap3A_491 : vector<16xf32> to vector<16xf32>
        %swap3A_493 = vector.shape_cast %get3A_400 : vector<16xf32> to vector<16xf32>
        tpu.vector_store %arg9[%swap3A_490], %swap3A_493 {add = true, strides = array<i32>} : memref<12288xf32, #tpu.memory_space<vmem>>, vector<16xf32>,
        %add3A_494 = arith.constant 224 : i32
        %add3A_495 = arith.addi %mul3A_328, %add3A_494 : i32
        %swap3A_496 = arith.index_cast %add3A_495 : i32 to index
        %swap3A_497 = tpu.vector_load %arg9[%swap3A_496] {strides = array<i32>} : memref<12288xf32, #tpu.memory_space<vmem>>, vector<16xf32>,
        %swap3A_498 = vector.shape_cast %swap3A_497 : vector<16xf32> to vector<16xf32>
        %swap3A_499 = vector.shape_cast %get3A_405 : vector<16xf32> to vector<16xf32>
        tpu.vector_store %arg9[%swap3A_496], %swap3A_499 {add = true, strides = array<i32>} : memref<12288xf32, #tpu.memory_space<vmem>>, vector<16xf32>,
        %add3A_500 = arith.constant 240 : i32
        %add3A_501 = arith.addi %mul3A_328, %add3A_500 : i32
        %swap3A_502 = arith.index_cast %add3A_501 : i32 to index
        %swap3A_503 = tpu.vector_load %arg9[%swap3A_502] {strides = array<i32>} : memref<12288xf32, #tpu.memory_space<vmem>>, vector<16xf32>,
        %swap3A_504 = vector.shape_cast %swap3A_503 : vector<16xf32> to vector<16xf32>
        %swap3A_505 = vector.shape_cast %get3A_410 : vector<16xf32> to vector<16xf32>
        tpu.vector_store %arg9[%swap3A_502], %swap3A_505 {add = true, strides = array<i32>} : memref<12288xf32, #tpu.memory_space<vmem>>, vector<16xf32>,
        %add3A_506 = arith.constant 256 : i32
        %add3A_507 = arith.addi %mul3A_328, %add3A_506 : i32
        %add3A_508 = arith.constant 0 : i32
        %add3A_509 = arith.addi %add3A_507, %add3A_508 : i32
        %swap3A_510 = arith.index_cast %add3A_509 : i32 to index
        %swap3A_511 = tpu.vector_load %arg9[%swap3A_510] {strides = array<i32>} : memref<12288xf32, #tpu.memory_space<vmem>>, vector<16xf32>,
        %swap3A_512 = vector.shape_cast %swap3A_511 : vector<16xf32> to vector<16xf32>
        %swap3A_513 = vector.shape_cast %get3A_123 : vector<16xf32> to vector<16xf32>
        tpu.vector_store %arg9[%swap3A_510], %swap3A_513 {add = true, strides = array<i32>} : memref<12288xf32, #tpu.memory_space<vmem>>, vector<16xf32>,
        %add3A_514 = arith.constant 256 : i32
        %add3A_515 = arith.addi %mul3A_328, %add3A_514 : i32
        %add3A_516 = arith.constant 16 : i32
        %add3A_517 = arith.addi %add3A_515, %add3A_516 : i32
        %swap3A_518 = arith.index_cast %add3A_517 : i32 to index
        %swap3A_519 = tpu.vector_load %arg9[%swap3A_518] {strides = array<i32>} : memref<12288xf32, #tpu.memory_space<vmem>>, vector<16xf32>,
        %swap3A_520 = vector.shape_cast %swap3A_519 : vector<16xf32> to vector<16xf32>
        %swap3A_521 = vector.shape_cast %get3A_128 : vector<16xf32> to vector<16xf32>
        tpu.vector_store %arg9[%swap3A_518], %swap3A_521 {add = true, strides = array<i32>} : memref<12288xf32, #tpu.memory_space<vmem>>, vector<16xf32>,
        %add3A_522 = arith.constant 256 : i32
        %add3A_523 = arith.addi %mul3A_328, %add3A_522 : i32
        %add3A_524 = arith.constant 32 : i32
        %add3A_525 = arith.addi %add3A_523, %add3A_524 : i32
        %swap3A_526 = arith.index_cast %add3A_525 : i32 to index
        %swap3A_527 = tpu.vector_load %arg9[%swap3A_526] {strides = array<i32>} : memref<12288xf32, #tpu.memory_space<vmem>>, vector<16xf32>,
        %swap3A_528 = vector.shape_cast %swap3A_527 : vector<16xf32> to vector<16xf32>
        %swap3A_529 = vector.shape_cast %get3A_133 : vector<16xf32> to vector<16xf32>
        tpu.vector_store %arg9[%swap3A_526], %swap3A_529 {add = true, strides = array<i32>} : memref<12288xf32, #tpu.memory_space<vmem>>, vector<16xf32>,
        %add3A_530 = arith.constant 256 : i32
        %add3A_531 = arith.addi %mul3A_328, %add3A_530 : i32
        %add3A_532 = arith.constant 48 : i32
        %add3A_533 = arith.addi %add3A_531, %add3A_532 : i32
        %swap3A_534 = arith.index_cast %add3A_533 : i32 to index
        %swap3A_535 = tpu.vector_load %arg9[%swap3A_534] {strides = array<i32>} : memref<12288xf32, #tpu.memory_space<vmem>>, vector<16xf32>,
        %swap3A_536 = vector.shape_cast %swap3A_535 : vector<16xf32> to vector<16xf32>
        %swap3A_537 = vector.shape_cast %get3A_138 : vector<16xf32> to vector<16xf32>
        tpu.vector_store %arg9[%swap3A_534], %swap3A_537 {add = true, strides = array<i32>} : memref<12288xf32, #tpu.memory_space<vmem>>, vector<16xf32>,
        %add3A_538 = arith.constant 256 : i32
        %add3A_539 = arith.addi %mul3A_328, %add3A_538 : i32
        %add3A_540 = arith.constant 64 : i32
        %add3A_541 = arith.addi %add3A_539, %add3A_540 : i32
        %swap3A_542 = arith.index_cast %add3A_541 : i32 to index
        %swap3A_543 = tpu.vector_load %arg9[%swap3A_542] {strides = array<i32>} : memref<12288xf32, #tpu.memory_space<vmem>>, vector<16xf32>,
        %swap3A_544 = vector.shape_cast %swap3A_543 : vector<16xf32> to vector<16xf32>
        %swap3A_545 = vector.shape_cast %get3A_143 : vector<16xf32> to vector<16xf32>
        tpu.vector_store %arg9[%swap3A_542], %swap3A_545 {add = true, strides = array<i32>} : memref<12288xf32, #tpu.memory_space<vmem>>, vector<16xf32>,
        %add3A_546 = arith.constant 256 : i32
        %add3A_547 = arith.addi %mul3A_328, %add3A_546 : i32
        %add3A_548 = arith.constant 80 : i32
        %add3A_549 = arith.addi %add3A_547, %add3A_548 : i32
        %swap3A_550 = arith.index_cast %add3A_549 : i32 to index
        %swap3A_551 = tpu.vector_load %arg9[%swap3A_550] {strides = array<i32>} : memref<12288xf32, #tpu.memory_space<vmem>>, vector<16xf32>,
        %swap3A_552 = vector.shape_cast %swap3A_551 : vector<16xf32> to vector<16xf32>
        %swap3A_553 = vector.shape_cast %get3A_148 : vector<16xf32> to vector<16xf32>
        tpu.vector_store %arg9[%swap3A_550], %swap3A_553 {add = true, strides = array<i32>} : memref<12288xf32, #tpu.memory_space<vmem>>, vector<16xf32>,
        %add3A_554 = arith.constant 256 : i32
        %add3A_555 = arith.addi %mul3A_328, %add3A_554 : i32
        %add3A_556 = arith.constant 96 : i32
        %add3A_557 = arith.addi %add3A_555, %add3A_556 : i32
        %swap3A_558 = arith.index_cast %add3A_557 : i32 to index
        %swap3A_559 = tpu.vector_load %arg9[%swap3A_558] {strides = array<i32>} : memref<12288xf32, #tpu.memory_space<vmem>>, vector<16xf32>,
        %swap3A_560 = vector.shape_cast %swap3A_559 : vector<16xf32> to vector<16xf32>
        %swap3A_561 = vector.shape_cast %get3A_153 : vector<16xf32> to vector<16xf32>
        tpu.vector_store %arg9[%swap3A_558], %swap3A_561 {add = true, strides = array<i32>} : memref<12288xf32, #tpu.memory_space<vmem>>, vector<16xf32>,
        %add3A_562 = arith.constant 256 : i32
        %add3A_563 = arith.addi %mul3A_328, %add3A_562 : i32
        %add3A_564 = arith.constant 112 : i32
        %add3A_565 = arith.addi %add3A_563, %add3A_564 : i32
        %swap3A_566 = arith.index_cast %add3A_565 : i32 to index
        %swap3A_567 = tpu.vector_load %arg9[%swap3A_566] {strides = array<i32>} : memref<12288xf32, #tpu.memory_space<vmem>>, vector<16xf32>,
        %swap3A_568 = vector.shape_cast %swap3A_567 : vector<16xf32> to vector<16xf32>
        %swap3A_569 = vector.shape_cast %get3A_158 : vector<16xf32> to vector<16xf32>
        tpu.vector_store %arg9[%swap3A_566], %swap3A_569 {add = true, strides = array<i32>} : memref<12288xf32, #tpu.memory_space<vmem>>, vector<16xf32>,
      }
      %scan3A_163 = arith.constant 32 : i32
      %mul3A_164 = arith.constant 1024 : i32
      %mul3A_165 = arith.muli %add3A_110, %mul3A_164 : i32
      %mul3A_166 = arith.constant 32 : i32
      %mul3A_167 = arith.muli %add3A, %mul3A_166 : i32
      %add3A_168 = arith.addi %mul3A_165, %mul3A_167 : i32
      %mul3A_169 = arith.constant 384 : i32
      %mul3A_170 = arith.muli %add3A_168, %mul3A_169 : i32
      %dma_start3A_171 = tpu.memref_slice %arg5[%mul3A_170] : memref<25165824xf32, #tpu.memory_space<hbm>> -> memref<12288xf32, #tpu.memory_space<hbm>>
      %dma_start3A_172 = tpu.memref_slice %arg5[%mul3A_170] : memref<25165824xf32, #tpu.memory_space<hbm>> -> memref<12288xf32, #tpu.memory_space<hbm>>
      tpu.enqueue_dma source(%arg9 : memref<12288xf32, #tpu.memory_space<vmem>>) target(%dma_start3A_172 : memref<12288xf32, #tpu.memory_space<hbm>>) target_semaphore(%arg17 : memref<!tpu.dma_semaphore, #tpu.memory_space<semaphore_mem>>)
      %add3A_173 = arith.constant 2 : i32
      %add3A_174 = arith.addi %add3A_110, %add3A_173 : i32
      %lt3A_175 = arith.constant 64 : i32
      %lt3A_176 = arith.cmpi slt, %add3A_174, %lt3A_175 : i32
      %convert_element_type3A_177 = arith.extui %lt3A_176 : i1 to i32
      %cond3A_178 = arith.constant 0 : i32
      %cond3A_179 = arith.cmpi ne, %convert_element_type3A_177, %cond3A_178 : i32
      scf.if %cond3A_179 {
        %ge3A = arith.constant 2 : i32
        %ge3A_326 = arith.cmpi sge, %add3A_110, %ge3A : i32
        %convert_element_type3A_327 = arith.extui %ge3A_326 : i1 to i32
        %cond3A_328 = arith.constant 0 : i32
        %cond3A_329 = arith.cmpi ne, %convert_element_type3A_327, %cond3A_328 : i32
        scf.if %cond3A_329 {
          %dma_wait3A_339 = arith.constant 0 : i32
          %dma_wait3A_340 = tpu.memref_slice %arg5[%dma_wait3A_339] : memref<25165824xf32, #tpu.memory_space<hbm>> -> memref<12288xf32, #tpu.memory_space<hbm>>
          %dma_wait3A_341 = arith.constant 0 : i32
          %dma_wait3A_342 = tpu.memref_slice %arg5[%dma_wait3A_341] : memref<25165824xf32, #tpu.memory_space<hbm>> -> memref<12288xf32, #tpu.memory_space<hbm>>
          tpu.wait_dma2 semaphore(%arg19 : memref<!tpu.dma_semaphore, #tpu.memory_space<semaphore_mem>>) src(%arg11 : memref<12288xf32, #tpu.memory_space<vmem>>) dst(%dma_wait3A_342 : memref<12288xf32, #tpu.memory_space<hbm>>)
        } else {
        }
        %mul3A_330 = arith.constant 1024 : i32
        %mul3A_331 = arith.muli %add3A_174, %mul3A_330 : i32
        %mul3A_332 = arith.constant 32 : i32
        %mul3A_333 = arith.muli %add3A, %mul3A_332 : i32
        %add3A_334 = arith.addi %mul3A_331, %mul3A_333 : i32
        %mul3A_335 = arith.constant 384 : i32
        %mul3A_336 = arith.muli %add3A_334, %mul3A_335 : i32
        %dma_start3A_337 = tpu.memref_slice %arg2[%mul3A_336] : memref<25165824xf32, #tpu.memory_space<hbm>> -> memref<12288xf32, #tpu.memory_space<hbm>>
        %dma_start3A_338 = tpu.memref_slice %arg2[%mul3A_336] : memref<25165824xf32, #tpu.memory_space<hbm>> -> memref<12288xf32, #tpu.memory_space<hbm>>
        tpu.enqueue_dma source(%dma_start3A_338 : memref<12288xf32, #tpu.memory_space<hbm>>) target(%arg11 : memref<12288xf32, #tpu.memory_space<vmem>>) target_semaphore(%arg15 : memref<!tpu.dma_semaphore, #tpu.memory_space<semaphore_mem>>)
      } else {
      }
      %mul3A_180 = arith.constant 4 : i32
      %mul3A_181 = arith.muli %scan3A_38, %mul3A_180 : i32
      %add3A_182 = arith.constant 2 : i32
      %add3A_183 = arith.addi %mul3A_181, %add3A_182 : i32
      %dma_wait3A_184 = arith.constant 0 : i32
      %dma_wait3A_185 = tpu.memref_slice %arg2[%dma_wait3A_184] : memref<25165824xf32, #tpu.memory_space<hbm>> -> memref<12288xf32, #tpu.memory_space<hbm>>
      %dma_wait3A_186 = arith.constant 0 : i32
      %dma_wait3A_187 = tpu.memref_slice %arg2[%dma_wait3A_186] : memref<25165824xf32, #tpu.memory_space<hbm>> -> memref<12288xf32, #tpu.memory_space<hbm>>
      tpu.wait_dma2 semaphore(%arg14 : memref<!tpu.dma_semaphore, #tpu.memory_space<semaphore_mem>>) src(%dma_wait3A_187 : memref<12288xf32, #tpu.memory_space<hbm>>) dst(%arg10 : memref<12288xf32, #tpu.memory_space<vmem>>)
      %rem3A_188 = arith.constant 16 : i32
      %rem3A_189 = arith.remsi %add3A_183, %rem3A_188 : i32
      %mul3A_190 = arith.constant 128 : i32
      %mul3A_191 = arith.muli %rem3A_189, %mul3A_190 : i32
      %add3A_192 = arith.constant 0 : i32
      %add3A_193 = arith.addi %mul3A_191, %add3A_192 : i32
      %get3A_194 = arith.index_cast %add3A_193 : i32 to index
      %get3A_195 = tpu.vector_load %arg7[%get3A_194] {strides = array<i32>} : memref<2048xf32, #tpu.memory_space<vmem>>, vector<16xf32>,
      %get3A_196 = vector.shape_cast %get3A_195 : vector<16xf32> to vector<16xf32>
      %add3A_197 = arith.constant 16 : i32
      %add3A_198 = arith.addi %mul3A_191, %add3A_197 : i32
      %get3A_199 = arith.index_cast %add3A_198 : i32 to index
      %get3A_200 = tpu.vector_load %arg7[%get3A_199] {strides = array<i32>} : memref<2048xf32, #tpu.memory_space<vmem>>, vector<16xf32>,
      %get3A_201 = vector.shape_cast %get3A_200 : vector<16xf32> to vector<16xf32>
      %add3A_202 = arith.constant 32 : i32
      %add3A_203 = arith.addi %mul3A_191, %add3A_202 : i32
      %get3A_204 = arith.index_cast %add3A_203 : i32 to index
      %get3A_205 = tpu.vector_load %arg7[%get3A_204] {strides = array<i32>} : memref<2048xf32, #tpu.memory_space<vmem>>, vector<16xf32>,
      %get3A_206 = vector.shape_cast %get3A_205 : vector<16xf32> to vector<16xf32>
      %add3A_207 = arith.constant 48 : i32
      %add3A_208 = arith.addi %mul3A_191, %add3A_207 : i32
      %get3A_209 = arith.index_cast %add3A_208 : i32 to index
      %get3A_210 = tpu.vector_load %arg7[%get3A_209] {strides = array<i32>} : memref<2048xf32, #tpu.memory_space<vmem>>, vector<16xf32>,
      %get3A_211 = vector.shape_cast %get3A_210 : vector<16xf32> to vector<16xf32>
      %add3A_212 = arith.constant 64 : i32
      %add3A_213 = arith.addi %mul3A_191, %add3A_212 : i32
      %get3A_214 = arith.index_cast %add3A_213 : i32 to index
      %get3A_215 = tpu.vector_load %arg7[%get3A_214] {strides = array<i32>} : memref<2048xf32, #tpu.memory_space<vmem>>, vector<16xf32>,
      %get3A_216 = vector.shape_cast %get3A_215 : vector<16xf32> to vector<16xf32>
      %add3A_217 = arith.constant 80 : i32
      %add3A_218 = arith.addi %mul3A_191, %add3A_217 : i32
      %get3A_219 = arith.index_cast %add3A_218 : i32 to index
      %get3A_220 = tpu.vector_load %arg7[%get3A_219] {strides = array<i32>} : memref<2048xf32, #tpu.memory_space<vmem>>, vector<16xf32>,
      %get3A_221 = vector.shape_cast %get3A_220 : vector<16xf32> to vector<16xf32>
      %add3A_222 = arith.constant 96 : i32
      %add3A_223 = arith.addi %mul3A_191, %add3A_222 : i32
      %get3A_224 = arith.index_cast %add3A_223 : i32 to index
      %get3A_225 = tpu.vector_load %arg7[%get3A_224] {strides = array<i32>} : memref<2048xf32, #tpu.memory_space<vmem>>, vector<16xf32>,
      %get3A_226 = vector.shape_cast %get3A_225 : vector<16xf32> to vector<16xf32>
      %add3A_227 = arith.constant 112 : i32
      %add3A_228 = arith.addi %mul3A_191, %add3A_227 : i32
      %get3A_229 = arith.index_cast %add3A_228 : i32 to index
      %get3A_230 = tpu.vector_load %arg7[%get3A_229] {strides = array<i32>} : memref<2048xf32, #tpu.memory_space<vmem>>, vector<16xf32>,
      %get3A_231 = vector.shape_cast %get3A_230 : vector<16xf32> to vector<16xf32>
      %scan3A_232 = arith.constant 0 : i32
      %scan3A_233 = arith.constant 32 : i32
      %scan3A_234 = arith.addi %scan3A_232, %scan3A_233 : i32
      %scan3A_235 = arith.constant 1 : i32
      scf.for %scan3A_326 = %scan3A_232 to %scan3A_234 step %scan3A_235  : i32 {
        %mul3A_327 = arith.constant 384 : i32
        %mul3A_328 = arith.muli %scan3A_326, %mul3A_327 : i32
        %mul3A_329 = arith.constant 256 : i32
        %mul3A_330 = arith.muli %scan3A_326, %mul3A_329 : i32
        %add3A_331 = arith.constant 0 : i32
        %add3A_332 = arith.addi %mul3A_330, %add3A_331 : i32
        %get3A_333 = arith.index_cast %add3A_332 : i32 to index
        %get3A_334 = tpu.vector_load %arg6[%get3A_333] {strides = array<i32>} : memref<8192xf32, #tpu.memory_space<vmem>>, vector<16xf32>,
        %get3A_335 = vector.shape_cast %get3A_334 : vector<16xf32> to vector<16xf32>
        %add3A_336 = arith.constant 16 : i32
        %add3A_337 = arith.addi %mul3A_330, %add3A_336 : i32
        %get3A_338 = arith.index_cast %add3A_337 : i32 to index
        %get3A_339 = tpu.vector_load %arg6[%get3A_338] {strides = array<i32>} : memref<8192xf32, #tpu.memory_space<vmem>>, vector<16xf32>,
        %get3A_340 = vector.shape_cast %get3A_339 : vector<16xf32> to vector<16xf32>
        %add3A_341 = arith.constant 32 : i32
        %add3A_342 = arith.addi %mul3A_330, %add3A_341 : i32
        %get3A_343 = arith.index_cast %add3A_342 : i32 to index
        %get3A_344 = tpu.vector_load %arg6[%get3A_343] {strides = array<i32>} : memref<8192xf32, #tpu.memory_space<vmem>>, vector<16xf32>,
        %get3A_345 = vector.shape_cast %get3A_344 : vector<16xf32> to vector<16xf32>
        %add3A_346 = arith.constant 48 : i32
        %add3A_347 = arith.addi %mul3A_330, %add3A_346 : i32
        %get3A_348 = arith.index_cast %add3A_347 : i32 to index
        %get3A_349 = tpu.vector_load %arg6[%get3A_348] {strides = array<i32>} : memref<8192xf32, #tpu.memory_space<vmem>>, vector<16xf32>,
        %get3A_350 = vector.shape_cast %get3A_349 : vector<16xf32> to vector<16xf32>
        %add3A_351 = arith.constant 64 : i32
        %add3A_352 = arith.addi %mul3A_330, %add3A_351 : i32
        %get3A_353 = arith.index_cast %add3A_352 : i32 to index
        %get3A_354 = tpu.vector_load %arg6[%get3A_353] {strides = array<i32>} : memref<8192xf32, #tpu.memory_space<vmem>>, vector<16xf32>,
        %get3A_355 = vector.shape_cast %get3A_354 : vector<16xf32> to vector<16xf32>
        %add3A_356 = arith.constant 80 : i32
        %add3A_357 = arith.addi %mul3A_330, %add3A_356 : i32
        %get3A_358 = arith.index_cast %add3A_357 : i32 to index
        %get3A_359 = tpu.vector_load %arg6[%get3A_358] {strides = array<i32>} : memref<8192xf32, #tpu.memory_space<vmem>>, vector<16xf32>,
        %get3A_360 = vector.shape_cast %get3A_359 : vector<16xf32> to vector<16xf32>
        %add3A_361 = arith.constant 96 : i32
        %add3A_362 = arith.addi %mul3A_330, %add3A_361 : i32
        %get3A_363 = arith.index_cast %add3A_362 : i32 to index
        %get3A_364 = tpu.vector_load %arg6[%get3A_363] {strides = array<i32>} : memref<8192xf32, #tpu.memory_space<vmem>>, vector<16xf32>,
        %get3A_365 = vector.shape_cast %get3A_364 : vector<16xf32> to vector<16xf32>
        %add3A_366 = arith.constant 112 : i32
        %add3A_367 = arith.addi %mul3A_330, %add3A_366 : i32
        %get3A_368 = arith.index_cast %add3A_367 : i32 to index
        %get3A_369 = tpu.vector_load %arg6[%get3A_368] {strides = array<i32>} : memref<8192xf32, #tpu.memory_space<vmem>>, vector<16xf32>,
        %get3A_370 = vector.shape_cast %get3A_369 : vector<16xf32> to vector<16xf32>
        %add3A_371 = arith.constant 128 : i32
        %add3A_372 = arith.addi %mul3A_330, %add3A_371 : i32
        %get3A_373 = arith.index_cast %add3A_372 : i32 to index
        %get3A_374 = tpu.vector_load %arg6[%get3A_373] {strides = array<i32>} : memref<8192xf32, #tpu.memory_space<vmem>>, vector<16xf32>,
        %get3A_375 = vector.shape_cast %get3A_374 : vector<16xf32> to vector<16xf32>
        %add3A_376 = arith.constant 144 : i32
        %add3A_377 = arith.addi %mul3A_330, %add3A_376 : i32
        %get3A_378 = arith.index_cast %add3A_377 : i32 to index
        %get3A_379 = tpu.vector_load %arg6[%get3A_378] {strides = array<i32>} : memref<8192xf32, #tpu.memory_space<vmem>>, vector<16xf32>,
        %get3A_380 = vector.shape_cast %get3A_379 : vector<16xf32> to vector<16xf32>
        %add3A_381 = arith.constant 160 : i32
        %add3A_382 = arith.addi %mul3A_330, %add3A_381 : i32
        %get3A_383 = arith.index_cast %add3A_382 : i32 to index
        %get3A_384 = tpu.vector_load %arg6[%get3A_383] {strides = array<i32>} : memref<8192xf32, #tpu.memory_space<vmem>>, vector<16xf32>,
        %get3A_385 = vector.shape_cast %get3A_384 : vector<16xf32> to vector<16xf32>
        %add3A_386 = arith.constant 176 : i32
        %add3A_387 = arith.addi %mul3A_330, %add3A_386 : i32
        %get3A_388 = arith.index_cast %add3A_387 : i32 to index
        %get3A_389 = tpu.vector_load %arg6[%get3A_388] {strides = array<i32>} : memref<8192xf32, #tpu.memory_space<vmem>>, vector<16xf32>,
        %get3A_390 = vector.shape_cast %get3A_389 : vector<16xf32> to vector<16xf32>
        %add3A_391 = arith.constant 192 : i32
        %add3A_392 = arith.addi %mul3A_330, %add3A_391 : i32
        %get3A_393 = arith.index_cast %add3A_392 : i32 to index
        %get3A_394 = tpu.vector_load %arg6[%get3A_393] {strides = array<i32>} : memref<8192xf32, #tpu.memory_space<vmem>>, vector<16xf32>,
        %get3A_395 = vector.shape_cast %get3A_394 : vector<16xf32> to vector<16xf32>
        %add3A_396 = arith.constant 208 : i32
        %add3A_397 = arith.addi %mul3A_330, %add3A_396 : i32
        %get3A_398 = arith.index_cast %add3A_397 : i32 to index
        %get3A_399 = tpu.vector_load %arg6[%get3A_398] {strides = array<i32>} : memref<8192xf32, #tpu.memory_space<vmem>>, vector<16xf32>,
        %get3A_400 = vector.shape_cast %get3A_399 : vector<16xf32> to vector<16xf32>
        %add3A_401 = arith.constant 224 : i32
        %add3A_402 = arith.addi %mul3A_330, %add3A_401 : i32
        %get3A_403 = arith.index_cast %add3A_402 : i32 to index
        %get3A_404 = tpu.vector_load %arg6[%get3A_403] {strides = array<i32>} : memref<8192xf32, #tpu.memory_space<vmem>>, vector<16xf32>,
        %get3A_405 = vector.shape_cast %get3A_404 : vector<16xf32> to vector<16xf32>
        %add3A_406 = arith.constant 240 : i32
        %add3A_407 = arith.addi %mul3A_330, %add3A_406 : i32
        %get3A_408 = arith.index_cast %add3A_407 : i32 to index
        %get3A_409 = tpu.vector_load %arg6[%get3A_408] {strides = array<i32>} : memref<8192xf32, #tpu.memory_space<vmem>>, vector<16xf32>,
        %get3A_410 = vector.shape_cast %get3A_409 : vector<16xf32> to vector<16xf32>
        %add3A_411 = arith.constant 0 : i32
        %add3A_412 = arith.addi %mul3A_328, %add3A_411 : i32
        %swap3A = arith.index_cast %add3A_412 : i32 to index
        %swap3A_413 = tpu.vector_load %arg10[%swap3A] {strides = array<i32>} : memref<12288xf32, #tpu.memory_space<vmem>>, vector<16xf32>,
        %swap3A_414 = vector.shape_cast %swap3A_413 : vector<16xf32> to vector<16xf32>
        %swap3A_415 = vector.shape_cast %get3A_335 : vector<16xf32> to vector<16xf32>
        tpu.vector_store %arg10[%swap3A], %swap3A_415 {add = true, strides = array<i32>} : memref<12288xf32, #tpu.memory_space<vmem>>, vector<16xf32>,
        %add3A_416 = arith.constant 16 : i32
        %add3A_417 = arith.addi %mul3A_328, %add3A_416 : i32
        %swap3A_418 = arith.index_cast %add3A_417 : i32 to index
        %swap3A_419 = tpu.vector_load %arg10[%swap3A_418] {strides = array<i32>} : memref<12288xf32, #tpu.memory_space<vmem>>, vector<16xf32>,
        %swap3A_420 = vector.shape_cast %swap3A_419 : vector<16xf32> to vector<16xf32>
        %swap3A_421 = vector.shape_cast %get3A_340 : vector<16xf32> to vector<16xf32>
        tpu.vector_store %arg10[%swap3A_418], %swap3A_421 {add = true, strides = array<i32>} : memref<12288xf32, #tpu.memory_space<vmem>>, vector<16xf32>,
        %add3A_422 = arith.constant 32 : i32
        %add3A_423 = arith.addi %mul3A_328, %add3A_422 : i32
        %swap3A_424 = arith.index_cast %add3A_423 : i32 to index
        %swap3A_425 = tpu.vector_load %arg10[%swap3A_424] {strides = array<i32>} : memref<12288xf32, #tpu.memory_space<vmem>>, vector<16xf32>,
        %swap3A_426 = vector.shape_cast %swap3A_425 : vector<16xf32> to vector<16xf32>
        %swap3A_427 = vector.shape_cast %get3A_345 : vector<16xf32> to vector<16xf32>
        tpu.vector_store %arg10[%swap3A_424], %swap3A_427 {add = true, strides = array<i32>} : memref<12288xf32, #tpu.memory_space<vmem>>, vector<16xf32>,
        %add3A_428 = arith.constant 48 : i32
        %add3A_429 = arith.addi %mul3A_328, %add3A_428 : i32
        %swap3A_430 = arith.index_cast %add3A_429 : i32 to index
        %swap3A_431 = tpu.vector_load %arg10[%swap3A_430] {strides = array<i32>} : memref<12288xf32, #tpu.memory_space<vmem>>, vector<16xf32>,
        %swap3A_432 = vector.shape_cast %swap3A_431 : vector<16xf32> to vector<16xf32>
        %swap3A_433 = vector.shape_cast %get3A_350 : vector<16xf32> to vector<16xf32>
        tpu.vector_store %arg10[%swap3A_430], %swap3A_433 {add = true, strides = array<i32>} : memref<12288xf32, #tpu.memory_space<vmem>>, vector<16xf32>,
        %add3A_434 = arith.constant 64 : i32
        %add3A_435 = arith.addi %mul3A_328, %add3A_434 : i32
        %swap3A_436 = arith.index_cast %add3A_435 : i32 to index
        %swap3A_437 = tpu.vector_load %arg10[%swap3A_436] {strides = array<i32>} : memref<12288xf32, #tpu.memory_space<vmem>>, vector<16xf32>,
        %swap3A_438 = vector.shape_cast %swap3A_437 : vector<16xf32> to vector<16xf32>
        %swap3A_439 = vector.shape_cast %get3A_355 : vector<16xf32> to vector<16xf32>
        tpu.vector_store %arg10[%swap3A_436], %swap3A_439 {add = true, strides = array<i32>} : memref<12288xf32, #tpu.memory_space<vmem>>, vector<16xf32>,
        %add3A_440 = arith.constant 80 : i32
        %add3A_441 = arith.addi %mul3A_328, %add3A_440 : i32
        %swap3A_442 = arith.index_cast %add3A_441 : i32 to index
        %swap3A_443 = tpu.vector_load %arg10[%swap3A_442] {strides = array<i32>} : memref<12288xf32, #tpu.memory_space<vmem>>, vector<16xf32>,
        %swap3A_444 = vector.shape_cast %swap3A_443 : vector<16xf32> to vector<16xf32>
        %swap3A_445 = vector.shape_cast %get3A_360 : vector<16xf32> to vector<16xf32>
        tpu.vector_store %arg10[%swap3A_442], %swap3A_445 {add = true, strides = array<i32>} : memref<12288xf32, #tpu.memory_space<vmem>>, vector<16xf32>,
        %add3A_446 = arith.constant 96 : i32
        %add3A_447 = arith.addi %mul3A_328, %add3A_446 : i32
        %swap3A_448 = arith.index_cast %add3A_447 : i32 to index
        %swap3A_449 = tpu.vector_load %arg10[%swap3A_448] {strides = array<i32>} : memref<12288xf32, #tpu.memory_space<vmem>>, vector<16xf32>,
        %swap3A_450 = vector.shape_cast %swap3A_449 : vector<16xf32> to vector<16xf32>
        %swap3A_451 = vector.shape_cast %get3A_365 : vector<16xf32> to vector<16xf32>
        tpu.vector_store %arg10[%swap3A_448], %swap3A_451 {add = true, strides = array<i32>} : memref<12288xf32, #tpu.memory_space<vmem>>, vector<16xf32>,
        %add3A_452 = arith.constant 112 : i32
        %add3A_453 = arith.addi %mul3A_328, %add3A_452 : i32
        %swap3A_454 = arith.index_cast %add3A_453 : i32 to index
        %swap3A_455 = tpu.vector_load %arg10[%swap3A_454] {strides = array<i32>} : memref<12288xf32, #tpu.memory_space<vmem>>, vector<16xf32>,
        %swap3A_456 = vector.shape_cast %swap3A_455 : vector<16xf32> to vector<16xf32>
        %swap3A_457 = vector.shape_cast %get3A_370 : vector<16xf32> to vector<16xf32>
        tpu.vector_store %arg10[%swap3A_454], %swap3A_457 {add = true, strides = array<i32>} : memref<12288xf32, #tpu.memory_space<vmem>>, vector<16xf32>,
        %add3A_458 = arith.constant 128 : i32
        %add3A_459 = arith.addi %mul3A_328, %add3A_458 : i32
        %swap3A_460 = arith.index_cast %add3A_459 : i32 to index
        %swap3A_461 = tpu.vector_load %arg10[%swap3A_460] {strides = array<i32>} : memref<12288xf32, #tpu.memory_space<vmem>>, vector<16xf32>,
        %swap3A_462 = vector.shape_cast %swap3A_461 : vector<16xf32> to vector<16xf32>
        %swap3A_463 = vector.shape_cast %get3A_375 : vector<16xf32> to vector<16xf32>
        tpu.vector_store %arg10[%swap3A_460], %swap3A_463 {add = true, strides = array<i32>} : memref<12288xf32, #tpu.memory_space<vmem>>, vector<16xf32>,
        %add3A_464 = arith.constant 144 : i32
        %add3A_465 = arith.addi %mul3A_328, %add3A_464 : i32
        %swap3A_466 = arith.index_cast %add3A_465 : i32 to index
        %swap3A_467 = tpu.vector_load %arg10[%swap3A_466] {strides = array<i32>} : memref<12288xf32, #tpu.memory_space<vmem>>, vector<16xf32>,
        %swap3A_468 = vector.shape_cast %swap3A_467 : vector<16xf32> to vector<16xf32>
        %swap3A_469 = vector.shape_cast %get3A_380 : vector<16xf32> to vector<16xf32>
        tpu.vector_store %arg10[%swap3A_466], %swap3A_469 {add = true, strides = array<i32>} : memref<12288xf32, #tpu.memory_space<vmem>>, vector<16xf32>,
        %add3A_470 = arith.constant 160 : i32
        %add3A_471 = arith.addi %mul3A_328, %add3A_470 : i32
        %swap3A_472 = arith.index_cast %add3A_471 : i32 to index
        %swap3A_473 = tpu.vector_load %arg10[%swap3A_472] {strides = array<i32>} : memref<12288xf32, #tpu.memory_space<vmem>>, vector<16xf32>,
        %swap3A_474 = vector.shape_cast %swap3A_473 : vector<16xf32> to vector<16xf32>
        %swap3A_475 = vector.shape_cast %get3A_385 : vector<16xf32> to vector<16xf32>
        tpu.vector_store %arg10[%swap3A_472], %swap3A_475 {add = true, strides = array<i32>} : memref<12288xf32, #tpu.memory_space<vmem>>, vector<16xf32>,
        %add3A_476 = arith.constant 176 : i32
        %add3A_477 = arith.addi %mul3A_328, %add3A_476 : i32
        %swap3A_478 = arith.index_cast %add3A_477 : i32 to index
        %swap3A_479 = tpu.vector_load %arg10[%swap3A_478] {strides = array<i32>} : memref<12288xf32, #tpu.memory_space<vmem>>, vector<16xf32>,
        %swap3A_480 = vector.shape_cast %swap3A_479 : vector<16xf32> to vector<16xf32>
        %swap3A_481 = vector.shape_cast %get3A_390 : vector<16xf32> to vector<16xf32>
        tpu.vector_store %arg10[%swap3A_478], %swap3A_481 {add = true, strides = array<i32>} : memref<12288xf32, #tpu.memory_space<vmem>>, vector<16xf32>,
        %add3A_482 = arith.constant 192 : i32
        %add3A_483 = arith.addi %mul3A_328, %add3A_482 : i32
        %swap3A_484 = arith.index_cast %add3A_483 : i32 to index
        %swap3A_485 = tpu.vector_load %arg10[%swap3A_484] {strides = array<i32>} : memref<12288xf32, #tpu.memory_space<vmem>>, vector<16xf32>,
        %swap3A_486 = vector.shape_cast %swap3A_485 : vector<16xf32> to vector<16xf32>
        %swap3A_487 = vector.shape_cast %get3A_395 : vector<16xf32> to vector<16xf32>
        tpu.vector_store %arg10[%swap3A_484], %swap3A_487 {add = true, strides = array<i32>} : memref<12288xf32, #tpu.memory_space<vmem>>, vector<16xf32>,
        %add3A_488 = arith.constant 208 : i32
        %add3A_489 = arith.addi %mul3A_328, %add3A_488 : i32
        %swap3A_490 = arith.index_cast %add3A_489 : i32 to index
        %swap3A_491 = tpu.vector_load %arg10[%swap3A_490] {strides = array<i32>} : memref<12288xf32, #tpu.memory_space<vmem>>, vector<16xf32>,
        %swap3A_492 = vector.shape_cast %swap3A_491 : vector<16xf32> to vector<16xf32>
        %swap3A_493 = vector.shape_cast %get3A_400 : vector<16xf32> to vector<16xf32>
        tpu.vector_store %arg10[%swap3A_490], %swap3A_493 {add = true, strides = array<i32>} : memref<12288xf32, #tpu.memory_space<vmem>>, vector<16xf32>,
        %add3A_494 = arith.constant 224 : i32
        %add3A_495 = arith.addi %mul3A_328, %add3A_494 : i32
        %swap3A_496 = arith.index_cast %add3A_495 : i32 to index
        %swap3A_497 = tpu.vector_load %arg10[%swap3A_496] {strides = array<i32>} : memref<12288xf32, #tpu.memory_space<vmem>>, vector<16xf32>,
        %swap3A_498 = vector.shape_cast %swap3A_497 : vector<16xf32> to vector<16xf32>
        %swap3A_499 = vector.shape_cast %get3A_405 : vector<16xf32> to vector<16xf32>
        tpu.vector_store %arg10[%swap3A_496], %swap3A_499 {add = true, strides = array<i32>} : memref<12288xf32, #tpu.memory_space<vmem>>, vector<16xf32>,
        %add3A_500 = arith.constant 240 : i32
        %add3A_501 = arith.addi %mul3A_328, %add3A_500 : i32
        %swap3A_502 = arith.index_cast %add3A_501 : i32 to index
        %swap3A_503 = tpu.vector_load %arg10[%swap3A_502] {strides = array<i32>} : memref<12288xf32, #tpu.memory_space<vmem>>, vector<16xf32>,
        %swap3A_504 = vector.shape_cast %swap3A_503 : vector<16xf32> to vector<16xf32>
        %swap3A_505 = vector.shape_cast %get3A_410 : vector<16xf32> to vector<16xf32>
        tpu.vector_store %arg10[%swap3A_502], %swap3A_505 {add = true, strides = array<i32>} : memref<12288xf32, #tpu.memory_space<vmem>>, vector<16xf32>,
        %add3A_506 = arith.constant 256 : i32
        %add3A_507 = arith.addi %mul3A_328, %add3A_506 : i32
        %add3A_508 = arith.constant 0 : i32
        %add3A_509 = arith.addi %add3A_507, %add3A_508 : i32
        %swap3A_510 = arith.index_cast %add3A_509 : i32 to index
        %swap3A_511 = tpu.vector_load %arg10[%swap3A_510] {strides = array<i32>} : memref<12288xf32, #tpu.memory_space<vmem>>, vector<16xf32>,
        %swap3A_512 = vector.shape_cast %swap3A_511 : vector<16xf32> to vector<16xf32>
        %swap3A_513 = vector.shape_cast %get3A_196 : vector<16xf32> to vector<16xf32>
        tpu.vector_store %arg10[%swap3A_510], %swap3A_513 {add = true, strides = array<i32>} : memref<12288xf32, #tpu.memory_space<vmem>>, vector<16xf32>,
        %add3A_514 = arith.constant 256 : i32
        %add3A_515 = arith.addi %mul3A_328, %add3A_514 : i32
        %add3A_516 = arith.constant 16 : i32
        %add3A_517 = arith.addi %add3A_515, %add3A_516 : i32
        %swap3A_518 = arith.index_cast %add3A_517 : i32 to index
        %swap3A_519 = tpu.vector_load %arg10[%swap3A_518] {strides = array<i32>} : memref<12288xf32, #tpu.memory_space<vmem>>, vector<16xf32>,
        %swap3A_520 = vector.shape_cast %swap3A_519 : vector<16xf32> to vector<16xf32>
        %swap3A_521 = vector.shape_cast %get3A_201 : vector<16xf32> to vector<16xf32>
        tpu.vector_store %arg10[%swap3A_518], %swap3A_521 {add = true, strides = array<i32>} : memref<12288xf32, #tpu.memory_space<vmem>>, vector<16xf32>,
        %add3A_522 = arith.constant 256 : i32
        %add3A_523 = arith.addi %mul3A_328, %add3A_522 : i32
        %add3A_524 = arith.constant 32 : i32
        %add3A_525 = arith.addi %add3A_523, %add3A_524 : i32
        %swap3A_526 = arith.index_cast %add3A_525 : i32 to index
        %swap3A_527 = tpu.vector_load %arg10[%swap3A_526] {strides = array<i32>} : memref<12288xf32, #tpu.memory_space<vmem>>, vector<16xf32>,
        %swap3A_528 = vector.shape_cast %swap3A_527 : vector<16xf32> to vector<16xf32>
        %swap3A_529 = vector.shape_cast %get3A_206 : vector<16xf32> to vector<16xf32>
        tpu.vector_store %arg10[%swap3A_526], %swap3A_529 {add = true, strides = array<i32>} : memref<12288xf32, #tpu.memory_space<vmem>>, vector<16xf32>,
        %add3A_530 = arith.constant 256 : i32
        %add3A_531 = arith.addi %mul3A_328, %add3A_530 : i32
        %add3A_532 = arith.constant 48 : i32
        %add3A_533 = arith.addi %add3A_531, %add3A_532 : i32
        %swap3A_534 = arith.index_cast %add3A_533 : i32 to index
        %swap3A_535 = tpu.vector_load %arg10[%swap3A_534] {strides = array<i32>} : memref<12288xf32, #tpu.memory_space<vmem>>, vector<16xf32>,
        %swap3A_536 = vector.shape_cast %swap3A_535 : vector<16xf32> to vector<16xf32>
        %swap3A_537 = vector.shape_cast %get3A_211 : vector<16xf32> to vector<16xf32>
        tpu.vector_store %arg10[%swap3A_534], %swap3A_537 {add = true, strides = array<i32>} : memref<12288xf32, #tpu.memory_space<vmem>>, vector<16xf32>,
        %add3A_538 = arith.constant 256 : i32
        %add3A_539 = arith.addi %mul3A_328, %add3A_538 : i32
        %add3A_540 = arith.constant 64 : i32
        %add3A_541 = arith.addi %add3A_539, %add3A_540 : i32
        %swap3A_542 = arith.index_cast %add3A_541 : i32 to index
        %swap3A_543 = tpu.vector_load %arg10[%swap3A_542] {strides = array<i32>} : memref<12288xf32, #tpu.memory_space<vmem>>, vector<16xf32>,
        %swap3A_544 = vector.shape_cast %swap3A_543 : vector<16xf32> to vector<16xf32>
        %swap3A_545 = vector.shape_cast %get3A_216 : vector<16xf32> to vector<16xf32>
        tpu.vector_store %arg10[%swap3A_542], %swap3A_545 {add = true, strides = array<i32>} : memref<12288xf32, #tpu.memory_space<vmem>>, vector<16xf32>,
        %add3A_546 = arith.constant 256 : i32
        %add3A_547 = arith.addi %mul3A_328, %add3A_546 : i32
        %add3A_548 = arith.constant 80 : i32
        %add3A_549 = arith.addi %add3A_547, %add3A_548 : i32
        %swap3A_550 = arith.index_cast %add3A_549 : i32 to index
        %swap3A_551 = tpu.vector_load %arg10[%swap3A_550] {strides = array<i32>} : memref<12288xf32, #tpu.memory_space<vmem>>, vector<16xf32>,
        %swap3A_552 = vector.shape_cast %swap3A_551 : vector<16xf32> to vector<16xf32>
        %swap3A_553 = vector.shape_cast %get3A_221 : vector<16xf32> to vector<16xf32>
        tpu.vector_store %arg10[%swap3A_550], %swap3A_553 {add = true, strides = array<i32>} : memref<12288xf32, #tpu.memory_space<vmem>>, vector<16xf32>,
        %add3A_554 = arith.constant 256 : i32
        %add3A_555 = arith.addi %mul3A_328, %add3A_554 : i32
        %add3A_556 = arith.constant 96 : i32
        %add3A_557 = arith.addi %add3A_555, %add3A_556 : i32
        %swap3A_558 = arith.index_cast %add3A_557 : i32 to index
        %swap3A_559 = tpu.vector_load %arg10[%swap3A_558] {strides = array<i32>} : memref<12288xf32, #tpu.memory_space<vmem>>, vector<16xf32>,
        %swap3A_560 = vector.shape_cast %swap3A_559 : vector<16xf32> to vector<16xf32>
        %swap3A_561 = vector.shape_cast %get3A_226 : vector<16xf32> to vector<16xf32>
        tpu.vector_store %arg10[%swap3A_558], %swap3A_561 {add = true, strides = array<i32>} : memref<12288xf32, #tpu.memory_space<vmem>>, vector<16xf32>,
        %add3A_562 = arith.constant 256 : i32
        %add3A_563 = arith.addi %mul3A_328, %add3A_562 : i32
        %add3A_564 = arith.constant 112 : i32
        %add3A_565 = arith.addi %add3A_563, %add3A_564 : i32
        %swap3A_566 = arith.index_cast %add3A_565 : i32 to index
        %swap3A_567 = tpu.vector_load %arg10[%swap3A_566] {strides = array<i32>} : memref<12288xf32, #tpu.memory_space<vmem>>, vector<16xf32>,
        %swap3A_568 = vector.shape_cast %swap3A_567 : vector<16xf32> to vector<16xf32>
        %swap3A_569 = vector.shape_cast %get3A_231 : vector<16xf32> to vector<16xf32>
        tpu.vector_store %arg10[%swap3A_566], %swap3A_569 {add = true, strides = array<i32>} : memref<12288xf32, #tpu.memory_space<vmem>>, vector<16xf32>,
      }
      %scan3A_236 = arith.constant 32 : i32
      %mul3A_237 = arith.constant 1024 : i32
      %mul3A_238 = arith.muli %add3A_183, %mul3A_237 : i32
      %mul3A_239 = arith.constant 32 : i32
      %mul3A_240 = arith.muli %add3A, %mul3A_239 : i32
      %add3A_241 = arith.addi %mul3A_238, %mul3A_240 : i32
      %mul3A_242 = arith.constant 384 : i32
      %mul3A_243 = arith.muli %add3A_241, %mul3A_242 : i32
      %dma_start3A_244 = tpu.memref_slice %arg5[%mul3A_243] : memref<25165824xf32, #tpu.memory_space<hbm>> -> memref<12288xf32, #tpu.memory_space<hbm>>
      %dma_start3A_245 = tpu.memref_slice %arg5[%mul3A_243] : memref<25165824xf32, #tpu.memory_space<hbm>> -> memref<12288xf32, #tpu.memory_space<hbm>>
      tpu.enqueue_dma source(%arg10 : memref<12288xf32, #tpu.memory_space<vmem>>) target(%dma_start3A_245 : memref<12288xf32, #tpu.memory_space<hbm>>) target_semaphore(%arg18 : memref<!tpu.dma_semaphore, #tpu.memory_space<semaphore_mem>>)
      %add3A_246 = arith.constant 2 : i32
      %add3A_247 = arith.addi %add3A_183, %add3A_246 : i32
      %lt3A_248 = arith.constant 64 : i32
      %lt3A_249 = arith.cmpi slt, %add3A_247, %lt3A_248 : i32
      %convert_element_type3A_250 = arith.extui %lt3A_249 : i1 to i32
      %cond3A_251 = arith.constant 0 : i32
      %cond3A_252 = arith.cmpi ne, %convert_element_type3A_250, %cond3A_251 : i32
      scf.if %cond3A_252 {
        %ge3A = arith.constant 2 : i32
        %ge3A_326 = arith.cmpi sge, %add3A_183, %ge3A : i32
        %convert_element_type3A_327 = arith.extui %ge3A_326 : i1 to i32
        %cond3A_328 = arith.constant 0 : i32
        %cond3A_329 = arith.cmpi ne, %convert_element_type3A_327, %cond3A_328 : i32
        scf.if %cond3A_329 {
          %dma_wait3A_339 = arith.constant 0 : i32
          %dma_wait3A_340 = tpu.memref_slice %arg5[%dma_wait3A_339] : memref<25165824xf32, #tpu.memory_space<hbm>> -> memref<12288xf32, #tpu.memory_space<hbm>>
          %dma_wait3A_341 = arith.constant 0 : i32
          %dma_wait3A_342 = tpu.memref_slice %arg5[%dma_wait3A_341] : memref<25165824xf32, #tpu.memory_space<hbm>> -> memref<12288xf32, #tpu.memory_space<hbm>>
          tpu.wait_dma2 semaphore(%arg16 : memref<!tpu.dma_semaphore, #tpu.memory_space<semaphore_mem>>) src(%arg8 : memref<12288xf32, #tpu.memory_space<vmem>>) dst(%dma_wait3A_342 : memref<12288xf32, #tpu.memory_space<hbm>>)
        } else {
        }
        %mul3A_330 = arith.constant 1024 : i32
        %mul3A_331 = arith.muli %add3A_247, %mul3A_330 : i32
        %mul3A_332 = arith.constant 32 : i32
        %mul3A_333 = arith.muli %add3A, %mul3A_332 : i32
        %add3A_334 = arith.addi %mul3A_331, %mul3A_333 : i32
        %mul3A_335 = arith.constant 384 : i32
        %mul3A_336 = arith.muli %add3A_334, %mul3A_335 : i32
        %dma_start3A_337 = tpu.memref_slice %arg2[%mul3A_336] : memref<25165824xf32, #tpu.memory_space<hbm>> -> memref<12288xf32, #tpu.memory_space<hbm>>
        %dma_start3A_338 = tpu.memref_slice %arg2[%mul3A_336] : memref<25165824xf32, #tpu.memory_space<hbm>> -> memref<12288xf32, #tpu.memory_space<hbm>>
        tpu.enqueue_dma source(%dma_start3A_338 : memref<12288xf32, #tpu.memory_space<hbm>>) target(%arg8 : memref<12288xf32, #tpu.memory_space<vmem>>) target_semaphore(%arg12 : memref<!tpu.dma_semaphore, #tpu.memory_space<semaphore_mem>>)
      } else {
      }
      %mul3A_253 = arith.constant 4 : i32
      %mul3A_254 = arith.muli %scan3A_38, %mul3A_253 : i32
      %add3A_255 = arith.constant 3 : i32
      %add3A_256 = arith.addi %mul3A_254, %add3A_255 : i32
      %dma_wait3A_257 = arith.constant 0 : i32
      %dma_wait3A_258 = tpu.memref_slice %arg2[%dma_wait3A_257] : memref<25165824xf32, #tpu.memory_space<hbm>> -> memref<12288xf32, #tpu.memory_space<hbm>>
      %dma_wait3A_259 = arith.constant 0 : i32
      %dma_wait3A_260 = tpu.memref_slice %arg2[%dma_wait3A_259] : memref<25165824xf32, #tpu.memory_space<hbm>> -> memref<12288xf32, #tpu.memory_space<hbm>>
      tpu.wait_dma2 semaphore(%arg15 : memref<!tpu.dma_semaphore, #tpu.memory_space<semaphore_mem>>) src(%dma_wait3A_260 : memref<12288xf32, #tpu.memory_space<hbm>>) dst(%arg11 : memref<12288xf32, #tpu.memory_space<vmem>>)
      %rem3A_261 = arith.constant 16 : i32
      %rem3A_262 = arith.remsi %add3A_256, %rem3A_261 : i32
      %mul3A_263 = arith.constant 128 : i32
      %mul3A_264 = arith.muli %rem3A_262, %mul3A_263 : i32
      %add3A_265 = arith.constant 0 : i32
      %add3A_266 = arith.addi %mul3A_264, %add3A_265 : i32
      %get3A_267 = arith.index_cast %add3A_266 : i32 to index
      %get3A_268 = tpu.vector_load %arg7[%get3A_267] {strides = array<i32>} : memref<2048xf32, #tpu.memory_space<vmem>>, vector<16xf32>,
      %get3A_269 = vector.shape_cast %get3A_268 : vector<16xf32> to vector<16xf32>
      %add3A_270 = arith.constant 16 : i32
      %add3A_271 = arith.addi %mul3A_264, %add3A_270 : i32
      %get3A_272 = arith.index_cast %add3A_271 : i32 to index
      %get3A_273 = tpu.vector_load %arg7[%get3A_272] {strides = array<i32>} : memref<2048xf32, #tpu.memory_space<vmem>>, vector<16xf32>,
      %get3A_274 = vector.shape_cast %get3A_273 : vector<16xf32> to vector<16xf32>
      %add3A_275 = arith.constant 32 : i32
      %add3A_276 = arith.addi %mul3A_264, %add3A_275 : i32
      %get3A_277 = arith.index_cast %add3A_276 : i32 to index
      %get3A_278 = tpu.vector_load %arg7[%get3A_277] {strides = array<i32>} : memref<2048xf32, #tpu.memory_space<vmem>>, vector<16xf32>,
      %get3A_279 = vector.shape_cast %get3A_278 : vector<16xf32> to vector<16xf32>
      %add3A_280 = arith.constant 48 : i32
      %add3A_281 = arith.addi %mul3A_264, %add3A_280 : i32
      %get3A_282 = arith.index_cast %add3A_281 : i32 to index
      %get3A_283 = tpu.vector_load %arg7[%get3A_282] {strides = array<i32>} : memref<2048xf32, #tpu.memory_space<vmem>>, vector<16xf32>,
      %get3A_284 = vector.shape_cast %get3A_283 : vector<16xf32> to vector<16xf32>
      %add3A_285 = arith.constant 64 : i32
      %add3A_286 = arith.addi %mul3A_264, %add3A_285 : i32
      %get3A_287 = arith.index_cast %add3A_286 : i32 to index
      %get3A_288 = tpu.vector_load %arg7[%get3A_287] {strides = array<i32>} : memref<2048xf32, #tpu.memory_space<vmem>>, vector<16xf32>,
      %get3A_289 = vector.shape_cast %get3A_288 : vector<16xf32> to vector<16xf32>
      %add3A_290 = arith.constant 80 : i32
      %add3A_291 = arith.addi %mul3A_264, %add3A_290 : i32
      %get3A_292 = arith.index_cast %add3A_291 : i32 to index
      %get3A_293 = tpu.vector_load %arg7[%get3A_292] {strides = array<i32>} : memref<2048xf32, #tpu.memory_space<vmem>>, vector<16xf32>,
      %get3A_294 = vector.shape_cast %get3A_293 : vector<16xf32> to vector<16xf32>
      %add3A_295 = arith.constant 96 : i32
      %add3A_296 = arith.addi %mul3A_264, %add3A_295 : i32
      %get3A_297 = arith.index_cast %add3A_296 : i32 to index
      %get3A_298 = tpu.vector_load %arg7[%get3A_297] {strides = array<i32>} : memref<2048xf32, #tpu.memory_space<vmem>>, vector<16xf32>,
      %get3A_299 = vector.shape_cast %get3A_298 : vector<16xf32> to vector<16xf32>
      %add3A_300 = arith.constant 112 : i32
      %add3A_301 = arith.addi %mul3A_264, %add3A_300 : i32
      %get3A_302 = arith.index_cast %add3A_301 : i32 to index
      %get3A_303 = tpu.vector_load %arg7[%get3A_302] {strides = array<i32>} : memref<2048xf32, #tpu.memory_space<vmem>>, vector<16xf32>,
      %get3A_304 = vector.shape_cast %get3A_303 : vector<16xf32> to vector<16xf32>
      %scan3A_305 = arith.constant 0 : i32
      %scan3A_306 = arith.constant 32 : i32
      %scan3A_307 = arith.addi %scan3A_305, %scan3A_306 : i32
      %scan3A_308 = arith.constant 1 : i32
      scf.for %scan3A_326 = %scan3A_305 to %scan3A_307 step %scan3A_308  : i32 {
        %mul3A_327 = arith.constant 384 : i32
        %mul3A_328 = arith.muli %scan3A_326, %mul3A_327 : i32
        %mul3A_329 = arith.constant 256 : i32
        %mul3A_330 = arith.muli %scan3A_326, %mul3A_329 : i32
        %add3A_331 = arith.constant 0 : i32
        %add3A_332 = arith.addi %mul3A_330, %add3A_331 : i32
        %get3A_333 = arith.index_cast %add3A_332 : i32 to index
        %get3A_334 = tpu.vector_load %arg6[%get3A_333] {strides = array<i32>} : memref<8192xf32, #tpu.memory_space<vmem>>, vector<16xf32>,
        %get3A_335 = vector.shape_cast %get3A_334 : vector<16xf32> to vector<16xf32>
        %add3A_336 = arith.constant 16 : i32
        %add3A_337 = arith.addi %mul3A_330, %add3A_336 : i32
        %get3A_338 = arith.index_cast %add3A_337 : i32 to index
        %get3A_339 = tpu.vector_load %arg6[%get3A_338] {strides = array<i32>} : memref<8192xf32, #tpu.memory_space<vmem>>, vector<16xf32>,
        %get3A_340 = vector.shape_cast %get3A_339 : vector<16xf32> to vector<16xf32>
        %add3A_341 = arith.constant 32 : i32
        %add3A_342 = arith.addi %mul3A_330, %add3A_341 : i32
        %get3A_343 = arith.index_cast %add3A_342 : i32 to index
        %get3A_344 = tpu.vector_load %arg6[%get3A_343] {strides = array<i32>} : memref<8192xf32, #tpu.memory_space<vmem>>, vector<16xf32>,
        %get3A_345 = vector.shape_cast %get3A_344 : vector<16xf32> to vector<16xf32>
        %add3A_346 = arith.constant 48 : i32
        %add3A_347 = arith.addi %mul3A_330, %add3A_346 : i32
        %get3A_348 = arith.index_cast %add3A_347 : i32 to index
        %get3A_349 = tpu.vector_load %arg6[%get3A_348] {strides = array<i32>} : memref<8192xf32, #tpu.memory_space<vmem>>, vector<16xf32>,
        %get3A_350 = vector.shape_cast %get3A_349 : vector<16xf32> to vector<16xf32>
        %add3A_351 = arith.constant 64 : i32
        %add3A_352 = arith.addi %mul3A_330, %add3A_351 : i32
        %get3A_353 = arith.index_cast %add3A_352 : i32 to index
        %get3A_354 = tpu.vector_load %arg6[%get3A_353] {strides = array<i32>} : memref<8192xf32, #tpu.memory_space<vmem>>, vector<16xf32>,
        %get3A_355 = vector.shape_cast %get3A_354 : vector<16xf32> to vector<16xf32>
        %add3A_356 = arith.constant 80 : i32
        %add3A_357 = arith.addi %mul3A_330, %add3A_356 : i32
        %get3A_358 = arith.index_cast %add3A_357 : i32 to index
        %get3A_359 = tpu.vector_load %arg6[%get3A_358] {strides = array<i32>} : memref<8192xf32, #tpu.memory_space<vmem>>, vector<16xf32>,
        %get3A_360 = vector.shape_cast %get3A_359 : vector<16xf32> to vector<16xf32>
        %add3A_361 = arith.constant 96 : i32
        %add3A_362 = arith.addi %mul3A_330, %add3A_361 : i32
        %get3A_363 = arith.index_cast %add3A_362 : i32 to index
        %get3A_364 = tpu.vector_load %arg6[%get3A_363] {strides = array<i32>} : memref<8192xf32, #tpu.memory_space<vmem>>, vector<16xf32>,
        %get3A_365 = vector.shape_cast %get3A_364 : vector<16xf32> to vector<16xf32>
        %add3A_366 = arith.constant 112 : i32
        %add3A_367 = arith.addi %mul3A_330, %add3A_366 : i32
        %get3A_368 = arith.index_cast %add3A_367 : i32 to index
        %get3A_369 = tpu.vector_load %arg6[%get3A_368] {strides = array<i32>} : memref<8192xf32, #tpu.memory_space<vmem>>, vector<16xf32>,
        %get3A_370 = vector.shape_cast %get3A_369 : vector<16xf32> to vector<16xf32>
        %add3A_371 = arith.constant 128 : i32
        %add3A_372 = arith.addi %mul3A_330, %add3A_371 : i32
        %get3A_373 = arith.index_cast %add3A_372 : i32 to index
        %get3A_374 = tpu.vector_load %arg6[%get3A_373] {strides = array<i32>} : memref<8192xf32, #tpu.memory_space<vmem>>, vector<16xf32>,
        %get3A_375 = vector.shape_cast %get3A_374 : vector<16xf32> to vector<16xf32>
        %add3A_376 = arith.constant 144 : i32
        %add3A_377 = arith.addi %mul3A_330, %add3A_376 : i32
        %get3A_378 = arith.index_cast %add3A_377 : i32 to index
        %get3A_379 = tpu.vector_load %arg6[%get3A_378] {strides = array<i32>} : memref<8192xf32, #tpu.memory_space<vmem>>, vector<16xf32>,
        %get3A_380 = vector.shape_cast %get3A_379 : vector<16xf32> to vector<16xf32>
        %add3A_381 = arith.constant 160 : i32
        %add3A_382 = arith.addi %mul3A_330, %add3A_381 : i32
        %get3A_383 = arith.index_cast %add3A_382 : i32 to index
        %get3A_384 = tpu.vector_load %arg6[%get3A_383] {strides = array<i32>} : memref<8192xf32, #tpu.memory_space<vmem>>, vector<16xf32>,
        %get3A_385 = vector.shape_cast %get3A_384 : vector<16xf32> to vector<16xf32>
        %add3A_386 = arith.constant 176 : i32
        %add3A_387 = arith.addi %mul3A_330, %add3A_386 : i32
        %get3A_388 = arith.index_cast %add3A_387 : i32 to index
        %get3A_389 = tpu.vector_load %arg6[%get3A_388] {strides = array<i32>} : memref<8192xf32, #tpu.memory_space<vmem>>, vector<16xf32>,
        %get3A_390 = vector.shape_cast %get3A_389 : vector<16xf32> to vector<16xf32>
        %add3A_391 = arith.constant 192 : i32
        %add3A_392 = arith.addi %mul3A_330, %add3A_391 : i32
        %get3A_393 = arith.index_cast %add3A_392 : i32 to index
        %get3A_394 = tpu.vector_load %arg6[%get3A_393] {strides = array<i32>} : memref<8192xf32, #tpu.memory_space<vmem>>, vector<16xf32>,
        %get3A_395 = vector.shape_cast %get3A_394 : vector<16xf32> to vector<16xf32>
        %add3A_396 = arith.constant 208 : i32
        %add3A_397 = arith.addi %mul3A_330, %add3A_396 : i32
        %get3A_398 = arith.index_cast %add3A_397 : i32 to index
        %get3A_399 = tpu.vector_load %arg6[%get3A_398] {strides = array<i32>} : memref<8192xf32, #tpu.memory_space<vmem>>, vector<16xf32>,
        %get3A_400 = vector.shape_cast %get3A_399 : vector<16xf32> to vector<16xf32>
        %add3A_401 = arith.constant 224 : i32
        %add3A_402 = arith.addi %mul3A_330, %add3A_401 : i32
        %get3A_403 = arith.index_cast %add3A_402 : i32 to index
        %get3A_404 = tpu.vector_load %arg6[%get3A_403] {strides = array<i32>} : memref<8192xf32, #tpu.memory_space<vmem>>, vector<16xf32>,
        %get3A_405 = vector.shape_cast %get3A_404 : vector<16xf32> to vector<16xf32>
        %add3A_406 = arith.constant 240 : i32
        %add3A_407 = arith.addi %mul3A_330, %add3A_406 : i32
        %get3A_408 = arith.index_cast %add3A_407 : i32 to index
        %get3A_409 = tpu.vector_load %arg6[%get3A_408] {strides = array<i32>} : memref<8192xf32, #tpu.memory_space<vmem>>, vector<16xf32>,
        %get3A_410 = vector.shape_cast %get3A_409 : vector<16xf32> to vector<16xf32>
        %add3A_411 = arith.constant 0 : i32
        %add3A_412 = arith.addi %mul3A_328, %add3A_411 : i32
        %swap3A = arith.index_cast %add3A_412 : i32 to index
        %swap3A_413 = tpu.vector_load %arg11[%swap3A] {strides = array<i32>} : memref<12288xf32, #tpu.memory_space<vmem>>, vector<16xf32>,
        %swap3A_414 = vector.shape_cast %swap3A_413 : vector<16xf32> to vector<16xf32>
        %swap3A_415 = vector.shape_cast %get3A_335 : vector<16xf32> to vector<16xf32>
        tpu.vector_store %arg11[%swap3A], %swap3A_415 {add = true, strides = array<i32>} : memref<12288xf32, #tpu.memory_space<vmem>>, vector<16xf32>,
        %add3A_416 = arith.constant 16 : i32
        %add3A_417 = arith.addi %mul3A_328, %add3A_416 : i32
        %swap3A_418 = arith.index_cast %add3A_417 : i32 to index
        %swap3A_419 = tpu.vector_load %arg11[%swap3A_418] {strides = array<i32>} : memref<12288xf32, #tpu.memory_space<vmem>>, vector<16xf32>,
        %swap3A_420 = vector.shape_cast %swap3A_419 : vector<16xf32> to vector<16xf32>
        %swap3A_421 = vector.shape_cast %get3A_340 : vector<16xf32> to vector<16xf32>
        tpu.vector_store %arg11[%swap3A_418], %swap3A_421 {add = true, strides = array<i32>} : memref<12288xf32, #tpu.memory_space<vmem>>, vector<16xf32>,
        %add3A_422 = arith.constant 32 : i32
        %add3A_423 = arith.addi %mul3A_328, %add3A_422 : i32
        %swap3A_424 = arith.index_cast %add3A_423 : i32 to index
        %swap3A_425 = tpu.vector_load %arg11[%swap3A_424] {strides = array<i32>} : memref<12288xf32, #tpu.memory_space<vmem>>, vector<16xf32>,
        %swap3A_426 = vector.shape_cast %swap3A_425 : vector<16xf32> to vector<16xf32>
        %swap3A_427 = vector.shape_cast %get3A_345 : vector<16xf32> to vector<16xf32>
        tpu.vector_store %arg11[%swap3A_424], %swap3A_427 {add = true, strides = array<i32>} : memref<12288xf32, #tpu.memory_space<vmem>>, vector<16xf32>,
        %add3A_428 = arith.constant 48 : i32
        %add3A_429 = arith.addi %mul3A_328, %add3A_428 : i32
        %swap3A_430 = arith.index_cast %add3A_429 : i32 to index
        %swap3A_431 = tpu.vector_load %arg11[%swap3A_430] {strides = array<i32>} : memref<12288xf32, #tpu.memory_space<vmem>>, vector<16xf32>,
        %swap3A_432 = vector.shape_cast %swap3A_431 : vector<16xf32> to vector<16xf32>
        %swap3A_433 = vector.shape_cast %get3A_350 : vector<16xf32> to vector<16xf32>
        tpu.vector_store %arg11[%swap3A_430], %swap3A_433 {add = true, strides = array<i32>} : memref<12288xf32, #tpu.memory_space<vmem>>, vector<16xf32>,
        %add3A_434 = arith.constant 64 : i32
        %add3A_435 = arith.addi %mul3A_328, %add3A_434 : i32
        %swap3A_436 = arith.index_cast %add3A_435 : i32 to index
        %swap3A_437 = tpu.vector_load %arg11[%swap3A_436] {strides = array<i32>} : memref<12288xf32, #tpu.memory_space<vmem>>, vector<16xf32>,
        %swap3A_438 = vector.shape_cast %swap3A_437 : vector<16xf32> to vector<16xf32>
        %swap3A_439 = vector.shape_cast %get3A_355 : vector<16xf32> to vector<16xf32>
        tpu.vector_store %arg11[%swap3A_436], %swap3A_439 {add = true, strides = array<i32>} : memref<12288xf32, #tpu.memory_space<vmem>>, vector<16xf32>,
        %add3A_440 = arith.constant 80 : i32
        %add3A_441 = arith.addi %mul3A_328, %add3A_440 : i32
        %swap3A_442 = arith.index_cast %add3A_441 : i32 to index
        %swap3A_443 = tpu.vector_load %arg11[%swap3A_442] {strides = array<i32>} : memref<12288xf32, #tpu.memory_space<vmem>>, vector<16xf32>,
        %swap3A_444 = vector.shape_cast %swap3A_443 : vector<16xf32> to vector<16xf32>
        %swap3A_445 = vector.shape_cast %get3A_360 : vector<16xf32> to vector<16xf32>
        tpu.vector_store %arg11[%swap3A_442], %swap3A_445 {add = true, strides = array<i32>} : memref<12288xf32, #tpu.memory_space<vmem>>, vector<16xf32>,
        %add3A_446 = arith.constant 96 : i32
        %add3A_447 = arith.addi %mul3A_328, %add3A_446 : i32
        %swap3A_448 = arith.index_cast %add3A_447 : i32 to index
        %swap3A_449 = tpu.vector_load %arg11[%swap3A_448] {strides = array<i32>} : memref<12288xf32, #tpu.memory_space<vmem>>, vector<16xf32>,
        %swap3A_450 = vector.shape_cast %swap3A_449 : vector<16xf32> to vector<16xf32>
        %swap3A_451 = vector.shape_cast %get3A_365 : vector<16xf32> to vector<16xf32>
        tpu.vector_store %arg11[%swap3A_448], %swap3A_451 {add = true, strides = array<i32>} : memref<12288xf32, #tpu.memory_space<vmem>>, vector<16xf32>,
        %add3A_452 = arith.constant 112 : i32
        %add3A_453 = arith.addi %mul3A_328, %add3A_452 : i32
        %swap3A_454 = arith.index_cast %add3A_453 : i32 to index
        %swap3A_455 = tpu.vector_load %arg11[%swap3A_454] {strides = array<i32>} : memref<12288xf32, #tpu.memory_space<vmem>>, vector<16xf32>,
        %swap3A_456 = vector.shape_cast %swap3A_455 : vector<16xf32> to vector<16xf32>
        %swap3A_457 = vector.shape_cast %get3A_370 : vector<16xf32> to vector<16xf32>
        tpu.vector_store %arg11[%swap3A_454], %swap3A_457 {add = true, strides = array<i32>} : memref<12288xf32, #tpu.memory_space<vmem>>, vector<16xf32>,
        %add3A_458 = arith.constant 128 : i32
        %add3A_459 = arith.addi %mul3A_328, %add3A_458 : i32
        %swap3A_460 = arith.index_cast %add3A_459 : i32 to index
        %swap3A_461 = tpu.vector_load %arg11[%swap3A_460] {strides = array<i32>} : memref<12288xf32, #tpu.memory_space<vmem>>, vector<16xf32>,
        %swap3A_462 = vector.shape_cast %swap3A_461 : vector<16xf32> to vector<16xf32>
        %swap3A_463 = vector.shape_cast %get3A_375 : vector<16xf32> to vector<16xf32>
        tpu.vector_store %arg11[%swap3A_460], %swap3A_463 {add = true, strides = array<i32>} : memref<12288xf32, #tpu.memory_space<vmem>>, vector<16xf32>,
        %add3A_464 = arith.constant 144 : i32
        %add3A_465 = arith.addi %mul3A_328, %add3A_464 : i32
        %swap3A_466 = arith.index_cast %add3A_465 : i32 to index
        %swap3A_467 = tpu.vector_load %arg11[%swap3A_466] {strides = array<i32>} : memref<12288xf32, #tpu.memory_space<vmem>>, vector<16xf32>,
        %swap3A_468 = vector.shape_cast %swap3A_467 : vector<16xf32> to vector<16xf32>
        %swap3A_469 = vector.shape_cast %get3A_380 : vector<16xf32> to vector<16xf32>
        tpu.vector_store %arg11[%swap3A_466], %swap3A_469 {add = true, strides = array<i32>} : memref<12288xf32, #tpu.memory_space<vmem>>, vector<16xf32>,
        %add3A_470 = arith.constant 160 : i32
        %add3A_471 = arith.addi %mul3A_328, %add3A_470 : i32
        %swap3A_472 = arith.index_cast %add3A_471 : i32 to index
        %swap3A_473 = tpu.vector_load %arg11[%swap3A_472] {strides = array<i32>} : memref<12288xf32, #tpu.memory_space<vmem>>, vector<16xf32>,
        %swap3A_474 = vector.shape_cast %swap3A_473 : vector<16xf32> to vector<16xf32>
        %swap3A_475 = vector.shape_cast %get3A_385 : vector<16xf32> to vector<16xf32>
        tpu.vector_store %arg11[%swap3A_472], %swap3A_475 {add = true, strides = array<i32>} : memref<12288xf32, #tpu.memory_space<vmem>>, vector<16xf32>,
        %add3A_476 = arith.constant 176 : i32
        %add3A_477 = arith.addi %mul3A_328, %add3A_476 : i32
        %swap3A_478 = arith.index_cast %add3A_477 : i32 to index
        %swap3A_479 = tpu.vector_load %arg11[%swap3A_478] {strides = array<i32>} : memref<12288xf32, #tpu.memory_space<vmem>>, vector<16xf32>,
        %swap3A_480 = vector.shape_cast %swap3A_479 : vector<16xf32> to vector<16xf32>
        %swap3A_481 = vector.shape_cast %get3A_390 : vector<16xf32> to vector<16xf32>
        tpu.vector_store %arg11[%swap3A_478], %swap3A_481 {add = true, strides = array<i32>} : memref<12288xf32, #tpu.memory_space<vmem>>, vector<16xf32>,
        %add3A_482 = arith.constant 192 : i32
        %add3A_483 = arith.addi %mul3A_328, %add3A_482 : i32
        %swap3A_484 = arith.index_cast %add3A_483 : i32 to index
        %swap3A_485 = tpu.vector_load %arg11[%swap3A_484] {strides = array<i32>} : memref<12288xf32, #tpu.memory_space<vmem>>, vector<16xf32>,
        %swap3A_486 = vector.shape_cast %swap3A_485 : vector<16xf32> to vector<16xf32>
        %swap3A_487 = vector.shape_cast %get3A_395 : vector<16xf32> to vector<16xf32>
        tpu.vector_store %arg11[%swap3A_484], %swap3A_487 {add = true, strides = array<i32>} : memref<12288xf32, #tpu.memory_space<vmem>>, vector<16xf32>,
        %add3A_488 = arith.constant 208 : i32
        %add3A_489 = arith.addi %mul3A_328, %add3A_488 : i32
        %swap3A_490 = arith.index_cast %add3A_489 : i32 to index
        %swap3A_491 = tpu.vector_load %arg11[%swap3A_490] {strides = array<i32>} : memref<12288xf32, #tpu.memory_space<vmem>>, vector<16xf32>,
        %swap3A_492 = vector.shape_cast %swap3A_491 : vector<16xf32> to vector<16xf32>
        %swap3A_493 = vector.shape_cast %get3A_400 : vector<16xf32> to vector<16xf32>
        tpu.vector_store %arg11[%swap3A_490], %swap3A_493 {add = true, strides = array<i32>} : memref<12288xf32, #tpu.memory_space<vmem>>, vector<16xf32>,
        %add3A_494 = arith.constant 224 : i32
        %add3A_495 = arith.addi %mul3A_328, %add3A_494 : i32
        %swap3A_496 = arith.index_cast %add3A_495 : i32 to index
        %swap3A_497 = tpu.vector_load %arg11[%swap3A_496] {strides = array<i32>} : memref<12288xf32, #tpu.memory_space<vmem>>, vector<16xf32>,
        %swap3A_498 = vector.shape_cast %swap3A_497 : vector<16xf32> to vector<16xf32>
        %swap3A_499 = vector.shape_cast %get3A_405 : vector<16xf32> to vector<16xf32>
        tpu.vector_store %arg11[%swap3A_496], %swap3A_499 {add = true, strides = array<i32>} : memref<12288xf32, #tpu.memory_space<vmem>>, vector<16xf32>,
        %add3A_500 = arith.constant 240 : i32
        %add3A_501 = arith.addi %mul3A_328, %add3A_500 : i32
        %swap3A_502 = arith.index_cast %add3A_501 : i32 to index
        %swap3A_503 = tpu.vector_load %arg11[%swap3A_502] {strides = array<i32>} : memref<12288xf32, #tpu.memory_space<vmem>>, vector<16xf32>,
        %swap3A_504 = vector.shape_cast %swap3A_503 : vector<16xf32> to vector<16xf32>
        %swap3A_505 = vector.shape_cast %get3A_410 : vector<16xf32> to vector<16xf32>
        tpu.vector_store %arg11[%swap3A_502], %swap3A_505 {add = true, strides = array<i32>} : memref<12288xf32, #tpu.memory_space<vmem>>, vector<16xf32>,
        %add3A_506 = arith.constant 256 : i32
        %add3A_507 = arith.addi %mul3A_328, %add3A_506 : i32
        %add3A_508 = arith.constant 0 : i32
        %add3A_509 = arith.addi %add3A_507, %add3A_508 : i32
        %swap3A_510 = arith.index_cast %add3A_509 : i32 to index
        %swap3A_511 = tpu.vector_load %arg11[%swap3A_510] {strides = array<i32>} : memref<12288xf32, #tpu.memory_space<vmem>>, vector<16xf32>,
        %swap3A_512 = vector.shape_cast %swap3A_511 : vector<16xf32> to vector<16xf32>
        %swap3A_513 = vector.shape_cast %get3A_269 : vector<16xf32> to vector<16xf32>
        tpu.vector_store %arg11[%swap3A_510], %swap3A_513 {add = true, strides = array<i32>} : memref<12288xf32, #tpu.memory_space<vmem>>, vector<16xf32>,
        %add3A_514 = arith.constant 256 : i32
        %add3A_515 = arith.addi %mul3A_328, %add3A_514 : i32
        %add3A_516 = arith.constant 16 : i32
        %add3A_517 = arith.addi %add3A_515, %add3A_516 : i32
        %swap3A_518 = arith.index_cast %add3A_517 : i32 to index
        %swap3A_519 = tpu.vector_load %arg11[%swap3A_518] {strides = array<i32>} : memref<12288xf32, #tpu.memory_space<vmem>>, vector<16xf32>,
        %swap3A_520 = vector.shape_cast %swap3A_519 : vector<16xf32> to vector<16xf32>
        %swap3A_521 = vector.shape_cast %get3A_274 : vector<16xf32> to vector<16xf32>
        tpu.vector_store %arg11[%swap3A_518], %swap3A_521 {add = true, strides = array<i32>} : memref<12288xf32, #tpu.memory_space<vmem>>, vector<16xf32>,
        %add3A_522 = arith.constant 256 : i32
        %add3A_523 = arith.addi %mul3A_328, %add3A_522 : i32
        %add3A_524 = arith.constant 32 : i32
        %add3A_525 = arith.addi %add3A_523, %add3A_524 : i32
        %swap3A_526 = arith.index_cast %add3A_525 : i32 to index
        %swap3A_527 = tpu.vector_load %arg11[%swap3A_526] {strides = array<i32>} : memref<12288xf32, #tpu.memory_space<vmem>>, vector<16xf32>,
        %swap3A_528 = vector.shape_cast %swap3A_527 : vector<16xf32> to vector<16xf32>
        %swap3A_529 = vector.shape_cast %get3A_279 : vector<16xf32> to vector<16xf32>
        tpu.vector_store %arg11[%swap3A_526], %swap3A_529 {add = true, strides = array<i32>} : memref<12288xf32, #tpu.memory_space<vmem>>, vector<16xf32>,
        %add3A_530 = arith.constant 256 : i32
        %add3A_531 = arith.addi %mul3A_328, %add3A_530 : i32
        %add3A_532 = arith.constant 48 : i32
        %add3A_533 = arith.addi %add3A_531, %add3A_532 : i32
        %swap3A_534 = arith.index_cast %add3A_533 : i32 to index
        %swap3A_535 = tpu.vector_load %arg11[%swap3A_534] {strides = array<i32>} : memref<12288xf32, #tpu.memory_space<vmem>>, vector<16xf32>,
        %swap3A_536 = vector.shape_cast %swap3A_535 : vector<16xf32> to vector<16xf32>
        %swap3A_537 = vector.shape_cast %get3A_284 : vector<16xf32> to vector<16xf32>
        tpu.vector_store %arg11[%swap3A_534], %swap3A_537 {add = true, strides = array<i32>} : memref<12288xf32, #tpu.memory_space<vmem>>, vector<16xf32>,
        %add3A_538 = arith.constant 256 : i32
        %add3A_539 = arith.addi %mul3A_328, %add3A_538 : i32
        %add3A_540 = arith.constant 64 : i32
        %add3A_541 = arith.addi %add3A_539, %add3A_540 : i32
        %swap3A_542 = arith.index_cast %add3A_541 : i32 to index
        %swap3A_543 = tpu.vector_load %arg11[%swap3A_542] {strides = array<i32>} : memref<12288xf32, #tpu.memory_space<vmem>>, vector<16xf32>,
        %swap3A_544 = vector.shape_cast %swap3A_543 : vector<16xf32> to vector<16xf32>
        %swap3A_545 = vector.shape_cast %get3A_289 : vector<16xf32> to vector<16xf32>
        tpu.vector_store %arg11[%swap3A_542], %swap3A_545 {add = true, strides = array<i32>} : memref<12288xf32, #tpu.memory_space<vmem>>, vector<16xf32>,
        %add3A_546 = arith.constant 256 : i32
        %add3A_547 = arith.addi %mul3A_328, %add3A_546 : i32
        %add3A_548 = arith.constant 80 : i32
        %add3A_549 = arith.addi %add3A_547, %add3A_548 : i32
        %swap3A_550 = arith.index_cast %add3A_549 : i32 to index
        %swap3A_551 = tpu.vector_load %arg11[%swap3A_550] {strides = array<i32>} : memref<12288xf32, #tpu.memory_space<vmem>>, vector<16xf32>,
        %swap3A_552 = vector.shape_cast %swap3A_551 : vector<16xf32> to vector<16xf32>
        %swap3A_553 = vector.shape_cast %get3A_294 : vector<16xf32> to vector<16xf32>
        tpu.vector_store %arg11[%swap3A_550], %swap3A_553 {add = true, strides = array<i32>} : memref<12288xf32, #tpu.memory_space<vmem>>, vector<16xf32>,
        %add3A_554 = arith.constant 256 : i32
        %add3A_555 = arith.addi %mul3A_328, %add3A_554 : i32
        %add3A_556 = arith.constant 96 : i32
        %add3A_557 = arith.addi %add3A_555, %add3A_556 : i32
        %swap3A_558 = arith.index_cast %add3A_557 : i32 to index
        %swap3A_559 = tpu.vector_load %arg11[%swap3A_558] {strides = array<i32>} : memref<12288xf32, #tpu.memory_space<vmem>>, vector<16xf32>,
        %swap3A_560 = vector.shape_cast %swap3A_559 : vector<16xf32> to vector<16xf32>
        %swap3A_561 = vector.shape_cast %get3A_299 : vector<16xf32> to vector<16xf32>
        tpu.vector_store %arg11[%swap3A_558], %swap3A_561 {add = true, strides = array<i32>} : memref<12288xf32, #tpu.memory_space<vmem>>, vector<16xf32>,
        %add3A_562 = arith.constant 256 : i32
        %add3A_563 = arith.addi %mul3A_328, %add3A_562 : i32
        %add3A_564 = arith.constant 112 : i32
        %add3A_565 = arith.addi %add3A_563, %add3A_564 : i32
        %swap3A_566 = arith.index_cast %add3A_565 : i32 to index
        %swap3A_567 = tpu.vector_load %arg11[%swap3A_566] {strides = array<i32>} : memref<12288xf32, #tpu.memory_space<vmem>>, vector<16xf32>,
        %swap3A_568 = vector.shape_cast %swap3A_567 : vector<16xf32> to vector<16xf32>
        %swap3A_569 = vector.shape_cast %get3A_304 : vector<16xf32> to vector<16xf32>
        tpu.vector_store %arg11[%swap3A_566], %swap3A_569 {add = true, strides = array<i32>} : memref<12288xf32, #tpu.memory_space<vmem>>, vector<16xf32>,
      }
      %scan3A_309 = arith.constant 32 : i32
      %mul3A_310 = arith.constant 1024 : i32
      %mul3A_311 = arith.muli %add3A_256, %mul3A_310 : i32
      %mul3A_312 = arith.constant 32 : i32
      %mul3A_313 = arith.muli %add3A, %mul3A_312 : i32
      %add3A_314 = arith.addi %mul3A_311, %mul3A_313 : i32
      %mul3A_315 = arith.constant 384 : i32
      %mul3A_316 = arith.muli %add3A_314, %mul3A_315 : i32
      %dma_start3A_317 = tpu.memref_slice %arg5[%mul3A_316] : memref<25165824xf32, #tpu.memory_space<hbm>> -> memref<12288xf32, #tpu.memory_space<hbm>>
      %dma_start3A_318 = tpu.memref_slice %arg5[%mul3A_316] : memref<25165824xf32, #tpu.memory_space<hbm>> -> memref<12288xf32, #tpu.memory_space<hbm>>
      tpu.enqueue_dma source(%arg11 : memref<12288xf32, #tpu.memory_space<vmem>>) target(%dma_start3A_318 : memref<12288xf32, #tpu.memory_space<hbm>>) target_semaphore(%arg19 : memref<!tpu.dma_semaphore, #tpu.memory_space<semaphore_mem>>)
      %add3A_319 = arith.constant 2 : i32
      %add3A_320 = arith.addi %add3A_256, %add3A_319 : i32
      %lt3A_321 = arith.constant 64 : i32
      %lt3A_322 = arith.cmpi slt, %add3A_320, %lt3A_321 : i32
      %convert_element_type3A_323 = arith.extui %lt3A_322 : i1 to i32
      %cond3A_324 = arith.constant 0 : i32
      %cond3A_325 = arith.cmpi ne, %convert_element_type3A_323, %cond3A_324 : i32
      scf.if %cond3A_325 {
        %ge3A = arith.constant 2 : i32
        %ge3A_326 = arith.cmpi sge, %add3A_256, %ge3A : i32
        %convert_element_type3A_327 = arith.extui %ge3A_326 : i1 to i32
        %cond3A_328 = arith.constant 0 : i32
        %cond3A_329 = arith.cmpi ne, %convert_element_type3A_327, %cond3A_328 : i32
        scf.if %cond3A_329 {
          %dma_wait3A_339 = arith.constant 0 : i32
          %dma_wait3A_340 = tpu.memref_slice %arg5[%dma_wait3A_339] : memref<25165824xf32, #tpu.memory_space<hbm>> -> memref<12288xf32, #tpu.memory_space<hbm>>
          %dma_wait3A_341 = arith.constant 0 : i32
          %dma_wait3A_342 = tpu.memref_slice %arg5[%dma_wait3A_341] : memref<25165824xf32, #tpu.memory_space<hbm>> -> memref<12288xf32, #tpu.memory_space<hbm>>
          tpu.wait_dma2 semaphore(%arg17 : memref<!tpu.dma_semaphore, #tpu.memory_space<semaphore_mem>>) src(%arg9 : memref<12288xf32, #tpu.memory_space<vmem>>) dst(%dma_wait3A_342 : memref<12288xf32, #tpu.memory_space<hbm>>)
        } else {
        }
        %mul3A_330 = arith.constant 1024 : i32
        %mul3A_331 = arith.muli %add3A_320, %mul3A_330 : i32
        %mul3A_332 = arith.constant 32 : i32
        %mul3A_333 = arith.muli %add3A, %mul3A_332 : i32
        %add3A_334 = arith.addi %mul3A_331, %mul3A_333 : i32
        %mul3A_335 = arith.constant 384 : i32
        %mul3A_336 = arith.muli %add3A_334, %mul3A_335 : i32
        %dma_start3A_337 = tpu.memref_slice %arg2[%mul3A_336] : memref<25165824xf32, #tpu.memory_space<hbm>> -> memref<12288xf32, #tpu.memory_space<hbm>>
        %dma_start3A_338 = tpu.memref_slice %arg2[%mul3A_336] : memref<25165824xf32, #tpu.memory_space<hbm>> -> memref<12288xf32, #tpu.memory_space<hbm>>
        tpu.enqueue_dma source(%dma_start3A_338 : memref<12288xf32, #tpu.memory_space<hbm>>) target(%arg9 : memref<12288xf32, #tpu.memory_space<vmem>>) target_semaphore(%arg13 : memref<!tpu.dma_semaphore, #tpu.memory_space<semaphore_mem>>)
      } else {
      }
    }
    %scan3A_22 = arith.constant 16 : i32
    %dma_wait3A = arith.constant 0 : i32
    %dma_wait3A_23 = tpu.memref_slice %arg5[%dma_wait3A] : memref<25165824xf32, #tpu.memory_space<hbm>> -> memref<12288xf32, #tpu.memory_space<hbm>>
    %dma_wait3A_24 = arith.constant 0 : i32
    %dma_wait3A_25 = tpu.memref_slice %arg5[%dma_wait3A_24] : memref<25165824xf32, #tpu.memory_space<hbm>> -> memref<12288xf32, #tpu.memory_space<hbm>>
    tpu.wait_dma2 semaphore(%arg16 : memref<!tpu.dma_semaphore, #tpu.memory_space<semaphore_mem>>) src(%arg8 : memref<12288xf32, #tpu.memory_space<vmem>>) dst(%dma_wait3A_25 : memref<12288xf32, #tpu.memory_space<hbm>>)
    %dma_wait3A_26 = arith.constant 0 : i32
    %dma_wait3A_27 = tpu.memref_slice %arg5[%dma_wait3A_26] : memref<25165824xf32, #tpu.memory_space<hbm>> -> memref<12288xf32, #tpu.memory_space<hbm>>
    %dma_wait3A_28 = arith.constant 0 : i32
    %dma_wait3A_29 = tpu.memref_slice %arg5[%dma_wait3A_28] : memref<25165824xf32, #tpu.memory_space<hbm>> -> memref<12288xf32, #tpu.memory_space<hbm>>
    tpu.wait_dma2 semaphore(%arg17 : memref<!tpu.dma_semaphore, #tpu.memory_space<semaphore_mem>>) src(%arg9 : memref<12288xf32, #tpu.memory_space<vmem>>) dst(%dma_wait3A_29 : memref<12288xf32, #tpu.memory_space<hbm>>)
    %dma_wait3A_30 = arith.constant 0 : i32
    %dma_wait3A_31 = tpu.memref_slice %arg5[%dma_wait3A_30] : memref<25165824xf32, #tpu.memory_space<hbm>> -> memref<12288xf32, #tpu.memory_space<hbm>>
    %dma_wait3A_32 = arith.constant 0 : i32
    %dma_wait3A_33 = tpu.memref_slice %arg5[%dma_wait3A_32] : memref<25165824xf32, #tpu.memory_space<hbm>> -> memref<12288xf32, #tpu.memory_space<hbm>>
    tpu.wait_dma2 semaphore(%arg18 : memref<!tpu.dma_semaphore, #tpu.memory_space<semaphore_mem>>) src(%arg10 : memref<12288xf32, #tpu.memory_space<vmem>>) dst(%dma_wait3A_33 : memref<12288xf32, #tpu.memory_space<hbm>>)
    %dma_wait3A_34 = arith.constant 0 : i32
    %dma_wait3A_35 = tpu.memref_slice %arg5[%dma_wait3A_34] : memref<25165824xf32, #tpu.memory_space<hbm>> -> memref<12288xf32, #tpu.memory_space<hbm>>
    %dma_wait3A_36 = arith.constant 0 : i32
    %dma_wait3A_37 = tpu.memref_slice %arg5[%dma_wait3A_36] : memref<25165824xf32, #tpu.memory_space<hbm>> -> memref<12288xf32, #tpu.memory_space<hbm>>
    tpu.wait_dma2 semaphore(%arg19 : memref<!tpu.dma_semaphore, #tpu.memory_space<semaphore_mem>>) src(%arg11 : memref<12288xf32, #tpu.memory_space<vmem>>) dst(%dma_wait3A_37 : memref<12288xf32, #tpu.memory_space<hbm>>)
    return
  }
}

</mosaic_0001>

<sc_bundles>
// kernel: kernel.3.cloned.1.call-start
scs
__scs_entry_jumppad:
0x0: {  	(pc) =	sbr.rel $0x88, $3  }
0x1: {  	(tag) =	ssettag $0x0;
	lr =	simm.s32 $0x1  }
0x2: {  	[smem:$0x3FA0] =	sst lr;
	_ =	strace $0xD0000000  }
0x3: {  	_ = 	snop  }
0x4: {  	_ = 	snop  }
0x5: {  	_ = 	snop  }
0x6: {  	_ = 	snop  }
0x7: {  	_ = 	snop  }
__scs_overlays_trampoline_lowered:
0x8: {  	[smem:$0x3FAF] =	sst s0  }
0x9: {  	[smem:$0x3FB0] =	sst s1  }
0xa: {  	[smem:$0x3FB1] =	sst s2  }
0xb: {  	[smem:$0x3FB2] =	sst s3  }
0xc: {  	[smem:$0x3FB3] =	sst s4  }
0xd: {  	[smem:$0x3FB4] =	sst s5  }
0xe: {  	[smem:$0x3FB5] =	sst s6  }
0xf: {  	[smem:$0x3FB6] =	sst s7  }
0x10: {  	[smem:$0x3FB7] =	sst s8  }
0x11: {  	[smem:$0x3FB8] =	sst s9;
	s0 =	simm.s32 @!p0 $0x0  }
0x12: {  	s1 =	sld [smem:$0x3F9E];
	s0 =	simm.s32 @p0 $0x1  }
0x13: {  	[smem:$0x3FB9] =	sst s0;
	s0 =	simm.s32 @!p1 $0x0  }
0x14: {  	s2 =	sld [smem:$0x3F9D];
	s0 =	simm.s32 @p1 $0x1  }
0x15: {  	[smem:$0x3FBA] =	sst s0;
	s0 =	simm.s32 @!p2 $0x0  }
0x16: {  	s3 =	sld [smem:$0x3FDB];
	s0 =	simm.s32 @p2 $0x1  }
0x17: {  	s4 =	simm.s32 $0x1BF5;
	[smem:$0x3FBC] =	sst s0  }
0x18: {  	s0 =	sld [smem:$0x3F9F];
	_ =	swait.ge [sflag:s4], $0x0  }
0x19: {  	s7 =	sld [smem:$0x3FA0]  }
0x1a: {  	s8 =	sadd.s32 $0xFFFFE003, lr  }
0x1b: {  	s9 =	sadd.s32 $0xFFFFFEF7, lr;
	s5 =	simm.s32 $0xFFFFFFFF;
	p2 =	slt.u32 s8, $0xFFFFF086  }
0x1c: {  	p1 =	slt.u32 s9, $0xF7A;
	s5 =	simm.s32 @!p2 $0x0  }
0x1d: {  	s5 =	simm.s32 @p1 $0x1;
	p0 =	seq.s32 s7, s2  }
0x1e: {  	s7 =	smul.u32 @!p0 $0xF7A, s2;
	p2 =	seq.s32 @!p0 s5, $0x0  }
0x1f: {  	s9 =	smul.u32 $0xF7A, s1;
	s8 =	simm.s32 @!p0 $0x1BF5;
	p2 =	por !p2, p0  }
0x20: {  	[sflag:s8] =	ssyncset.s32 @!p0 $0xFFFFF086;
	s6 =	sadd.s32 @!p0 s3, s7;
	s7 =	simm.s32 @!p0 $0x108  }
0x21: {  	s3 =	sadd.s32 s3, s9;
	s6 =	sadd.s32 @!p0 $0x88, s6;
	s7 =	simm.s32 @p2 $0x1082  }
0x22: {  	[simem:s7], [sflag:s8] =	dma.local @!p0 [hbm:s6], $0xF7A  }
0x23: {  	s9 =	sor.u32 $0xD0000000, s2;
	s6 =	simm.s32 $0x108;
	_ =	swait.ge @!p0 [sflag:s8], $0x0  }
0x24: {  	s3 =	sadd.s32 $0x88, s3;
	s6 =	simm.s32 @!p1 $0x1082;
	[sflag:s4] =	ssyncset.s32 $0xFFFFF086  }
0x25: {  	[simem:s6], [sflag:s4] =	dma.local [hbm:s3], $0xF7A  }
0x26: {  	[smem:$0x3FA0] =	sst s1;
	(tag) =	ssettag s2;
	_ =	strace s9  }
0x27: {  	s1 =	sld [smem:$0x3FB0]  }
0x28: {  	s2 =	sld [smem:$0x3FB1]  }
0x29: {  	s4 =	sld [smem:$0x3FB3]  }
0x2a: {  	p0 =	seq.s32 s5, $0x0;
	s5 =	sld [smem:$0x3FB4]  }
0x2b: {  	s6 =	sld [smem:$0x3FB5]  }
0x2c: {  	s7 =	sld [smem:$0x3FB6]  }
0x2d: {  	s3 =	simm.s32 $0x108;
	s8 =	sld [smem:$0x3FB7]  }
0x2e: {  	s3 =	simm.s32 @!p0 $0x1082;
	s9 =	sld [smem:$0x3FB8]  }
0x2f: {  	lr =	sadd.s32 s0, s3;
	s0 =	sld [smem:$0x3FAF]  }
0x30: {  	s3 =	sld [smem:$0x3FB2]  }
0x31: {  	[smem:$0x3FBB] =	sst s10  }
0x32: {  	s10 =	sld [smem:$0x3FB9];
	_ =	sdelay $0x3  }
0x33: {  	p0 =	seq.s32 s10, $0x1;
	s10 =	sld [smem:$0x3FBB];
	_ =	sdelay $0x3  }
0x34: {  	[smem:$0x3FBB] =	sst s10  }
0x35: {  	s10 =	sld [smem:$0x3FBA];
	_ =	sdelay $0x3  }
0x36: {  	p1 =	seq.s32 s10, $0x1;
	s10 =	sld [smem:$0x3FBB];
	_ =	sdelay $0x3  }
0x37: {  	[smem:$0x3FBB] =	sst s10  }
0x38: {  	s10 =	sld [smem:$0x3FBC]  }
0x39: {  	_ = 	snop;
	(pc) =	sbr.ind lr, $3  }
0x3a: {  	_ = 	snop  }
0x3b: {  	_ = 	snop  }
0x3c: {  	p2 =	seq.s32 s10, $0x1;
	s10 =	sld [smem:$0x3FBB]  }
0x3d: {  	_ =	shalt  }
0x3e: {  	_ =	shalt  }
0x3f: {  	_ =	shalt  }
0x40: {  	_ =	shalt  }
0x41: {  	_ =	shalt  }
0x42: {  	_ =	shalt  }
0x43: {  	_ =	shalt  }
0x44: {  	_ =	shalt  }
0x45: {  	_ =	shalt  }
0x46: {  	_ =	shalt  }
0x47: {  	_ =	shalt  }
0x48: {  	_ =	shalt  }
0x49: {  	_ =	shalt  }
0x4a: {  	_ =	shalt  }
0x4b: {  	_ =	shalt  }
0x4c: {  	_ =	shalt  }
0x4d: {  	_ =	shalt  }
0x4e: {  	_ =	shalt  }
0x4f: {  	_ =	shalt  }
0x50: {  	_ =	shalt  }
0x51: {  	_ =	shalt  }
0x52: {  	_ =	shalt  }
0x53: {  	_ =	shalt  }
0x54: {  	_ =	shalt  }
0x55: {  	_ =	shalt  }
0x56: {  	_ =	shalt  }
0x57: {  	_ =	shalt  }
0x58: {  	_ =	shalt  }
0x59: {  	_ =	shalt  }
0x5a: {  	_ =	shalt  }
0x5b: {  	_ =	shalt  }
0x5c: {  	_ =	shalt  }
0x5d: {  	_ =	shalt  }
0x5e: {  	_ =	shalt  }
0x5f: {  	_ =	shalt  }
0x60: {  	_ =	shalt  }
0x61: {  	_ =	shalt  }
0x62: {  	_ =	shalt  }
0x63: {  	_ =	shalt  }
0x64: {  	_ =	shalt  }
0x65: {  	_ =	shalt  }
0x66: {  	_ =	shalt  }
0x67: {  	_ =	shalt  }
0x68: {  	_ =	shalt  }
0x69: {  	_ =	shalt  }
0x6a: {  	_ =	shalt  }
0x6b: {  	_ =	shalt  }
0x6c: {  	_ =	shalt  }
0x6d: {  	_ =	shalt  }
0x6e: {  	_ =	shalt  }
0x6f: {  	_ =	shalt  }
0x70: {  	_ =	shalt  }
0x71: {  	_ =	shalt  }
0x72: {  	_ =	shalt  }
0x73: {  	_ =	shalt  }
0x74: {  	_ =	shalt  }
0x75: {  	_ =	shalt  }
0x76: {  	_ =	shalt  }
0x77: {  	_ =	shalt  }
0x78: {  	_ =	shalt  }
0x79: {  	_ =	shalt  }
0x7a: {  	_ =	shalt  }
0x7b: {  	_ =	shalt  }
0x7c: {  	_ =	shalt  }
0x7d: {  	_ =	shalt  }
0x7e: {  	_ =	shalt  }
0x7f: {  	_ =	shalt  }
0x80: {  	_ =	shalt  }
0x81: {  	_ =	shalt  }
0x82: {  	_ =	shalt  }
0x83: {  	_ =	shalt  }
0x84: {  	_ =	shalt  }
0x85: {  	_ =	shalt  }
0x86: {  	_ =	shalt  }
0x87: {  	_ =	shalt  }
.Lfunc_end0:
.L_simem_size_0:
called_computation_lowered:
.L_overlay_start_0:
0x88: {  	s2 =	sld [smem:$0x3FD9]  }
0x89: {  	s3 =	sld [smem:$0x3FFE];
	_ =	sdelay $0x1  }
0x8a: {  	s1 =	srdreg.scid  }
0x8b: {  	s0 =	sand.u32 $0x1, s1  }
0x8c: {  	s17 =	sshll.u32 s0, $0xA;
	s2 =	sadd.s32 s3, s2  }
0x8d: {  	s2 =	sadd.s32 s2, s17  }
0x8e: {  	[smem:$0x3FC7] =	sst s2  }
0x8f: {  	_ = 	snop  }
0x90: {  	s2 =	sld [smem:$0x3FD0];
	(tm) =	ssettm $0x1  }
0x91: {  	s18 =	sld [smem:$0x3FFB];
	_ =	sdelay $0x3  }
0x92: {  	_ =	strace s18  }
0x93: {  	s3 =	sld [smem:$0x3FFC];
	_ =	sdelay $0x3  }
0x94: {  	_ =	strace s3  }
0x95: {  	s3 =	sld [smem:$0x3FFD];
	_ =	sdelay $0x3  }
0x96: {  	_ =	strace s3  }
0x97: {  	_ =	strace $0x8FFFFFFF  }
0x98: {  	s19 =	sld [smem:$0x3FDB];
	_ =	sdelay $0x1  }
0x99: {  	s4 =	simm.s32 $_scs_section_size  }
0x9a: {  	s5 =	simm.s32 $_size__tile_overlayer_lowered;
	s6 =	simm.s32 $_tile_overlayer_lowered  }
0x9b: {  	s22 =	simm.s32 $0x1BFF;
	s21 =	sshll.u32 s6, $0x1;
	s3 =	sadd.s32 s4, s19  }
0x9c: {  	s7 =	simm.s32 $0x0;
	s20 =	sshll.u32 s5, $0x1;
	s5 =	sadd.s32 s21, s3  }
0x9d: {  	[timem:s7], [sflag:s22] =	dma.local [hbm:s5], s20  }
0x9e: {  	_ =	swait.ge [sflag:s22], s20  }
0x9f: {  	s4 =	ssub.s32 $0x0, s20;
	[sflag:s22] =	ssyncset.done $0x0  }
0xa0: {  	[sflag:s22] =	ssyncadd.s32 s4;
	_ =	sdelay $0x1  }
0xa1: {  	s23 =	simm.s32 $0x1B8B  }
0xa2: {  	_ =	swait.ge [sflag:s23], $0x1  }
0xa3: {  	[sflag:s23] =	ssyncset.done $0x0  }
0xa4: {  	s25 =	simm.s32 $0x1B8E;
	s24 =	sld [smem:$0x3FFE];
	[sflag:s23] =	ssyncadd.s32 $0xFFFFFFFF  }
0xa5: {  	s26 =	simm.s32 $execute0_lowered;
	[smem:$0x3FD2] =	sst s25  }
0xa6: {  	s5 =	sshll.u32 s26, $0x1;
	_ =	strace $0x80000046;
	[dreg:$0x1] =	wrdreg $0xFFFFFFFF  }
0xa7: {  	s28 =	simm.s32 $_size_execute0_lowered;
	s3 =	sadd.s32 s3, s5;
	[dreg:$0x0] =	wrdreg $0x0  }
0xa8: {  	s5 =	sshll.u32 s28, $0x1;
	[dreg:$0x2] =	wrdreg s3  }
0xa9: {  	[dreg:$0x3] =	wrdreg s5  }
0xaa: {  	[dreg:$0x4] =	wrdreg $0xC0  }
0xab: {  	_ =	task [dreg:s7], $0x5FFFF  }
0xac: {  	[dreg:$0x1] =	wrdreg $0xFFFFFFFF  }
0xad: {  	[dreg:$0x0] =	wrdreg $0x60  }
0xae: {  	[dreg:$0x2] =	wrdreg s2  }
0xaf: {  	[dreg:$0x3] =	wrdreg s24  }
0xb0: {  	[dreg:$0x4] =	wrdreg $0x9  }
0xb1: {  	_ =	task.clear_ibuf [dreg:s7], $0x5FFFF;
	_ =	strace $0x90000046  }
0xb2: {  	s29 =	simm.s32 $0x9;
	_ =	strace $0x80000048  }
0xb3: {  	_ =	swait.ge [sflag:s29], $0x1  }
0xb4: {  	[sflag:s29] =	ssyncadd.s32 $0xFFFFFFFF  }
0xb5: {  	_ =	strace $0x90000048  }
0xb6: {  	_ =	sfence  }
0xb7: {  	s30 =	sld [smem:$0x0];
	_ =	sdelay $0x2  }
0xb8: {  	s31 =	sshll.u32 s1, $0xD;
	s1 =	sshrl.u32 s1, $0x2  }
0xb9: {  	s3 =	sand.u32 $0x4000, s31;
	s1 =	sadd.s32 s1, s30  }
0xba: {  	s0 =	sor.u32 s3, s0;
	s1 =	sshll.u32 s1, $0x11  }
0xbb: {  	s0 =	sor.u32 s1, s0  }
0xbc: {  	s0 =	sadd.s32 $0x8F2B, s0  }
0xbd: {  	[sflag:s0] =	ssyncadd.remote.s32 $0x1  }
0xbe: {  	_ =	sfence.sel $0xFFFF  }
0xbf: {  	[dreg:$0x0] =	wrdreg $0xFFFFFFFF;
	(pc) =	sbr.abs _section_cstart, $3  }
0xc0: {  	[dreg:$0x1] =	wrdreg $0xFFFFFFFF  }
0xc1: {  	_ =	task.clear_ibuf [dreg:s7], $0x2FFFF;
	_ =	strace $0x9FFFFFFF  }
0xc2: {  	(tm) =	ssettm $0x7FFFFFFF  }
0xc3: {  	_ =	shalt  }
tec
execute0_lowered:
.L_overlay_start_1:
0x0: {  	(tag) =	ssettag $0x1  }
0x1: {  	s2 =	rddreg [dreg:$0x0];
	s0 =	srdreg.scid  }
0x2: {  	s3 =	stileid.u32;
	s1 =	rddreg [dreg:$0x1];
	s13 =	simm.s32 $0x9  }
0x3: {  	s15 =	simm.s32 $0x2800;
	s16 =	simm.s32 $0x5800;
	s17 =	simm.s32 $0x1  }
0x4: {  	s18 =	simm.s32 $0x8800;
	s19 =	simm.s32 $0x2;
	s20 =	simm.s32 $0xB800  }
0x5: {  	s21 =	simm.s32 $0x3;
	s22 =	simm.s32 $0x4;
	s23 =	simm.s32 $0x5  }
0x6: {  	s24 =	simm.s32 $0x6;
	s28 =	simm.s32 $0x0;
	s0 =	sand.u32 $0x1, s0  }
0x7: {  	s4 =	sshll.u32 s3, $0x1;
	s3 =	simm.s32 $0x0;
	s25 =	sadd.s32 $0x800, s1  }
0x8: {  	s4 =	sor.u32 s0, s4;
	[smem:$0x7FF] =	sst s3;
	s0 =	ssub.s32 $0x2, s0  }
0x9: {  	s5 =	sshll.u32 s4, $0xA;
	_ =	strace $0x80000047;
	s7 =	smul.u32 $0x3000, s4  }
0xa: {  	[dreg:$0x3] =	wrdreg s25;
	s26 =	sshrl.u32 s0, $0x1;
	s8 =	smul.u32 $0x600, s4  }
0xb: {  	s25 =	simm.s32 $0x7;
	s6 =	sadd.s32 s5, s1;
	s5 =	sadd.s32 $0x8A00, s1  }
.Ltmp0:
0xc: {  	s0 =	ssub.s32 s0, s26;
	s26 =	simm.s32 $0x8;
	(pc) =	sbr.rel .LBB2_1-.Ltmp0, $4  }
0xd: {  	s7 =	sshrl.u32 s7, $0x3;
	s29 =	sadd.s32 $0xA00, s6;
	s31 =	sadd.s32 s2, s8  }
0xe: {  	s8 =	sshll.u32 s4, $0x5;
	[dreg:$0x4] =	wrdreg s29;
	s30 =	sadd.s32 s2, s7  }
0xf: {  	s12 =	smax.u32 s0, $0x1;
	[dreg:$0x5] =	wrdreg s31;
	s1 =	sadd.s32 $0xC000, s30  }
0x10: {  	s10 =	sor.u32 $0x1000, s8;
	s11 =	sor.u32 $0x1400, s8;
	[dreg:$0x6] =	wrdreg s1  }
.LBB2_12:
0x11: {  	_ =	swait.ge [sflag:s23], $0x3000  }
0x12: {  	[sflag:s23] =	ssyncset.done $0x0  }
0x13: {  	[sflag:s23] =	ssyncadd.s32 $0xFFFFD000  }
0x14: {  	_ =	swait.ge [sflag:s24], $0x3000  }
0x15: {  	[sflag:s24] =	ssyncset.done $0x0  }
0x16: {  	s28 =	sadd.s32 $0x1, s28;
	[sflag:s24] =	ssyncadd.s32 $0xFFFFD000  }
0x17: {  	p0 =	sne.s32 s28, s12;
	_ =	swait.ge [sflag:s25], $0x3000  }
.Ltmp1:
0x18: {  	[sflag:s25] =	ssyncset.done $0x0;
	(pc) =	sbr.rel @!p0 .LBB2_13-.Ltmp1, $4  }
0x19: {  	[sflag:s25] =	ssyncadd.s32 $0xFFFFD000  }
0x1a: {  	_ =	swait.ge [sflag:s26], $0x3000  }
0x1b: {  	[sflag:s26] =	ssyncset.done $0x0  }
0x1c: {  	[sflag:s26] =	ssyncadd.s32 $0xFFFFD000  }
.LBB2_1:
0x1d: {  	s0 =	rddreg [dreg:$0x4]  }
0x1e: {  	[tilespmem:s3], [sflag:$0x9] =	stream.linear.gather [hbm4b:s0+s3], $0x2000, $0x38;
	[tilespmem:$0xE800] =	vst v63  }
0x1f: {  	_ =	swait.ge [sflag:s13], $0x2000  }
0x20: {  	[sflag:s13] =	ssyncset.done $0x0  }
0x21: {  	s1 =	simm.s32 $0x2000;
	s14 =	rddreg [dreg:$0x3];
	[sflag:s13] =	ssyncadd.s32 $0xFFFFE000  }
0x22: {  	[tilespmem:s1], [sflag:$0x9] =	stream.linear.gather [hbm4b:s14+s3], $0x800, $0x38;
	[tilespmem:$0xE800] =	vst v63  }
0x23: {  	_ =	swait.ge [sflag:s13], $0x800  }
0x24: {  	[sflag:s13] =	ssyncset.done $0x0  }
0x25: {  	s30 =	rddreg [dreg:$0x5];
	[sflag:s13] =	ssyncadd.s32 $0xFFFFF800  }
0x26: {  	[tilespmem:s15], [sflag:$0x1] =	stream.linear.gather [hbm4b:s30+s3], $0x3000, $0x38;
	[tilespmem:$0xE800] =	vst v63  }
0x27: {  	s29 =	simm.s32 $0x0;
	s31 =	rddreg [dreg:$0x6]  }
0x28: {  	[tilespmem:s16], [sflag:$0x2] =	stream.linear.gather [hbm4b:s31+s3], $0x3000, $0x38;
	[tilespmem:$0xE800] =	vst v63  }
.LBB2_2:
0x29: {  	_ =	swait.ge [sflag:s17], $0x3000  }
0x2a: {  	s0 =	sshll.u32 s29, $0x9;
	[sflag:s17] =	ssyncset.done $0x0  }
0x2b: {  	s0 =	sand.u32 $0x600, s0;
	[sflag:s17] =	ssyncadd.s32 $0xFFFFD000  }
0x2c: {  	v0 =	vld [tilespmem:s0+$0x2000]  }
0x2d: {  	v1 =	vld [tilespmem:s0+$0x2010]  }
0x2e: {  	v2 =	vld [tilespmem:s0+$0x2020]  }
0x2f: {  	v3 =	vld [tilespmem:s0+$0x2030]  }
0x30: {  	v4 =	vld [tilespmem:s0+$0x2040]  }
0x31: {  	v5 =	vld [tilespmem:s0+$0x2050]  }
0x32: {  	v6 =	vld [tilespmem:s0+$0x2060]  }
0x33: {  	v7 =	vld [tilespmem:s0+$0x2070];
	s0 =	simm.s32 $0x80  }
0x34: {  	v8 =	vld [tilespmem:s0+$0xFFFFFF80]  }
0x35: {  	v9 =	vld [tilespmem:s0+$0xFFFFFF90]  }
0x36: {  	v10 =	vld [tilespmem:s0+$0xFFFFFFA0]  }
0x37: {  	v11 =	vld [tilespmem:s0+$0xFFFFFFB0]  }
0x38: {  	v12 =	vld [tilespmem:s0+$0xFFFFFFC0]  }
0x39: {  	v13 =	vld [tilespmem:s0+$0xFFFFFFD0]  }
0x3a: {  	v14 =	vld [tilespmem:s0+$0xFFFFFFE0]  }
0x3b: {  	v15 =	vld [tilespmem:s0+$0xFFFFFFF0]  }
0x3c: {  	v16 =	vld [tilespmem:s0+$0x0]  }
0x3d: {  	v17 =	vld [tilespmem:s0+$0x10]  }
0x3e: {  	v18 =	vld [tilespmem:s0+$0x20]  }
0x3f: {  	s1 =	simm.s32 $0x0;
	s4 =	simm.s32 $0x600;
	v19 =	vld [tilespmem:s0+$0x40]  }
.LBB2_3:
0x40: {  	p0 =	sne.s32 s4, $0xBA00;
	v20 =	vld [tilespmem:s0+$0x30]  }
0x41: {  	v21 =	vld [tilespmem:s0+$0x50]  }
0x42: {  	v22 =	vld [tilespmem:s0+$0x60]  }
0x43: {  	s6 =	sshra.s32 s1, $0x2;
	s1 =	smov.u32 s4;
	v23 =	vld [tilespmem:s0+$0x70]  }
0x44: {  	[tilespmem:s6+$0x28C0] =	vst.add.f32.msk $0xffff, v19  }
0x45: {  	[tilespmem:s6+$0x2800] =	vst.add.f32.msk $0xffff, v8  }
0x46: {  	[tilespmem:s6+$0x2810] =	vst.add.f32.msk $0xffff, v9  }
0x47: {  	[tilespmem:s6+$0x2820] =	vst.add.f32.msk $0xffff, v10  }
0x48: {  	[tilespmem:s6+$0x2830] =	vst.add.f32.msk $0xffff, v11  }
0x49: {  	[tilespmem:s6+$0x2840] =	vst.add.f32.msk $0xffff, v12  }
0x4a: {  	[tilespmem:s6+$0x2850] =	vst.add.f32.msk $0xffff, v13  }
0x4b: {  	[tilespmem:s6+$0x2860] =	vst.add.f32.msk $0xffff, v14  }
0x4c: {  	[tilespmem:s6+$0x2870] =	vst.add.f32.msk $0xffff, v15  }
0x4d: {  	[tilespmem:s6+$0x2880] =	vst.add.f32.msk $0xffff, v16  }
0x4e: {  	[tilespmem:s6+$0x2890] =	vst.add.f32.msk $0xffff, v17  }
0x4f: {  	[tilespmem:s6+$0x28A0] =	vst.add.f32.msk $0xffff, v18  }
0x50: {  	[tilespmem:s6+$0x28B0] =	vst.add.f32.msk $0xffff, v20  }
0x51: {  	[tilespmem:s6+$0x2950] =	vst.add.f32.msk $0xffff, v5  }
0x52: {  	[tilespmem:s6+$0x2960] =	vst.add.f32.msk $0xffff, v6  }
0x53: {  	[tilespmem:s6+$0x2970] =	vst.add.f32.msk $0xffff, v7  }
0x54: {  	[tilespmem:s6+$0x2940] =	vst.add.f32.msk $0xffff, v4  }
0x55: {  	[tilespmem:s6+$0x2930] =	vst.add.f32.msk $0xffff, v3  }
0x56: {  	[tilespmem:s6+$0x2920] =	vst.add.f32.msk $0xffff, v2  }
0x57: {  	[tilespmem:s6+$0x2910] =	vst.add.f32.msk $0xffff, v1  }
0x58: {  	[tilespmem:s6+$0x2900] =	vst.add.f32.msk $0xffff, v0  }
0x59: {  	[tilespmem:s6+$0x28F0] =	vst.add.f32.msk $0xffff, v23  }
0x5a: {  	[tilespmem:s6+$0x28E0] =	vst.add.f32.msk $0xffff, v22  }
0x5b: {  	s0 =	sadd.s32 $0x100, s0;
	[tilespmem:s6+$0x28D0] =	vst.add.f32.msk $0xffff, v21  }
0x5c: {  	v8 =	vld [tilespmem:s0+$0xFFFFFF80]  }
0x5d: {  	v9 =	vld [tilespmem:s0+$0xFFFFFF90]  }
0x5e: {  	v10 =	vld [tilespmem:s0+$0xFFFFFFA0]  }
0x5f: {  	v11 =	vld [tilespmem:s0+$0xFFFFFFB0]  }
0x60: {  	v12 =	vld [tilespmem:s0+$0xFFFFFFC0]  }
0x61: {  	v13 =	vld [tilespmem:s0+$0xFFFFFFD0]  }
0x62: {  	v14 =	vld [tilespmem:s0+$0xFFFFFFE0]  }
.Ltmp2:
0x63: {  	v15 =	vld [tilespmem:s0+$0xFFFFFFF0];
	(pc) =	sbr.rel @p0 .LBB2_3-.Ltmp2, $4  }
0x64: {  	v16 =	vld [tilespmem:s0+$0x0]  }
0x65: {  	v17 =	vld [tilespmem:s0+$0x10]  }
0x66: {  	v18 =	vld [tilespmem:s0+$0x20]  }
0x67: {  	s4 =	sadd.s32 $0x600, s4;
	v19 =	vld [tilespmem:s0+$0x40]  }
0x68: {  	v20 =	vld [tilespmem:s0+$0x30]  }
0x69: {  	v21 =	vld [tilespmem:s0+$0x50]  }
0x6a: {  	v22 =	vld [tilespmem:s0+$0x60]  }
0x6b: {  	v23 =	vld [tilespmem:s0+$0x70];
	s6 =	sshra.s32 s1, $0x2  }
0x6c: {  	[tilespmem:s6+$0x2800] =	vst.add.f32.msk $0xffff, v8  }
0x6d: {  	[tilespmem:s6+$0x2810] =	vst.add.f32.msk $0xffff, v9  }
0x6e: {  	[tilespmem:s6+$0x2820] =	vst.add.f32.msk $0xffff, v10  }
0x6f: {  	[tilespmem:s6+$0x2830] =	vst.add.f32.msk $0xffff, v11  }
0x70: {  	[tilespmem:s6+$0x2840] =	vst.add.f32.msk $0xffff, v12  }
0x71: {  	[tilespmem:s6+$0x2850] =	vst.add.f32.msk $0xffff, v13  }
0x72: {  	[tilespmem:s6+$0x2860] =	vst.add.f32.msk $0xffff, v14  }
0x73: {  	[tilespmem:s6+$0x2870] =	vst.add.f32.msk $0xffff, v15  }
0x74: {  	[tilespmem:s6+$0x2880] =	vst.add.f32.msk $0xffff, v16  }
0x75: {  	[tilespmem:s6+$0x2950] =	vst.add.f32.msk $0xffff, v5  }
0x76: {  	[tilespmem:s6+$0x2960] =	vst.add.f32.msk $0xffff, v6  }
0x77: {  	[tilespmem:s6+$0x2970] =	vst.add.f32.msk $0xffff, v7  }
0x78: {  	[tilespmem:s6+$0x2940] =	vst.add.f32.msk $0xffff, v4  }
0x79: {  	[tilespmem:s6+$0x2930] =	vst.add.f32.msk $0xffff, v3  }
0x7a: {  	[tilespmem:s6+$0x2920] =	vst.add.f32.msk $0xffff, v2  }
0x7b: {  	[tilespmem:s6+$0x2910] =	vst.add.f32.msk $0xffff, v1  }
0x7c: {  	[tilespmem:s6+$0x2900] =	vst.add.f32.msk $0xffff, v0  }
0x7d: {  	[tilespmem:s6+$0x2890] =	vst.add.f32.msk $0xffff, v17  }
0x7e: {  	[tilespmem:s6+$0x28A0] =	vst.add.f32.msk $0xffff, v18  }
0x7f: {  	s30 =	sshll.u32 s29, $0xC;
	[tilespmem:s6+$0x28C0] =	vst.add.f32.msk $0xffff, v19  }
0x80: {  	s1 =	sshll.u32 s29, $0x2;
	s7 =	sor.u32 s8, s30;
	[tilespmem:s6+$0x28B0] =	vst.add.f32.msk $0xffff, v20  }
0x81: {  	s0 =	sor.u32 $0x2, s1;
	s4 =	smul.u32 $0x30, s7;
	[tilespmem:s6+$0x28F0] =	vst.add.f32.msk $0xffff, v23  }
0x82: {  	p0 =	seq.s32 s29, $0x0;
	s14 =	sshll.u32 s0, $0xA;
	[tilespmem:s6+$0x28E0] =	vst.add.f32.msk $0xffff, v22  }
0x83: {  	s9 =	sadd.s32 s5, s4;
	s4 =	sor.u32 s8, s14;
	[tilespmem:s6+$0x28D0] =	vst.add.f32.msk $0xffff, v21;
	s6 =	simm.s32 @!p0 $0x7  }
0x84: {  	[hbm4b:s9+s3] =	stream.linear.scatter [tilespmem:s15], [sflag:$0x5], $0x3000, $0x38;
	[tilespmem:$0xE800] =	vst v63  }
0x85: {  	s31 =	smul.u32 $0x30, s4;
	_ =	swait.ge @!p0 [sflag:s6], $0x3000  }
0x86: {  	[sflag:s6] =	ssyncset.done @!p0 $0x0  }
0x87: {  	s4 =	simm.s32 $0x0;
	s7 =	sadd.s32 s2, s31;
	[sflag:s6] =	ssyncadd.s32 @!p0 $0xFFFFD000  }
0x88: {  	[tilespmem:s18], [sflag:$0x3] =	stream.linear.gather [hbm4b:s7+s4], $0x3000, $0x38;
	[tilespmem:$0xE800] =	vst v63  }
0x89: {  	s14 =	sor.u32 $0x1, s1;
	_ =	swait.ge [sflag:s19], $0x3000  }
0x8a: {  	s9 =	sshll.u32 s14, $0x7;
	[sflag:s19] =	ssyncset.done $0x0  }
0x8b: {  	s6 =	sand.u32 $0x680, s9;
	[sflag:s19] =	ssyncadd.s32 $0xFFFFD000  }
0x8c: {  	v0 =	vld [tilespmem:s6+$0x2000]  }
0x8d: {  	v1 =	vld [tilespmem:s6+$0x2010]  }
0x8e: {  	v2 =	vld [tilespmem:s6+$0x2020]  }
0x8f: {  	v3 =	vld [tilespmem:s6+$0x2030]  }
0x90: {  	v4 =	vld [tilespmem:s6+$0x2040]  }
0x91: {  	v5 =	vld [tilespmem:s6+$0x2050]  }
0x92: {  	v6 =	vld [tilespmem:s6+$0x2060]  }
0x93: {  	v7 =	vld [tilespmem:s6+$0x2070];
	s6 =	simm.s32 $0x80  }
0x94: {  	v8 =	vld [tilespmem:s6+$0xFFFFFF80]  }
0x95: {  	v9 =	vld [tilespmem:s6+$0xFFFFFF90]  }
0x96: {  	v10 =	vld [tilespmem:s6+$0xFFFFFFA0]  }
0x97: {  	v11 =	vld [tilespmem:s6+$0xFFFFFFB0]  }
0x98: {  	v12 =	vld [tilespmem:s6+$0xFFFFFFC0]  }
0x99: {  	v13 =	vld [tilespmem:s6+$0xFFFFFFD0]  }
0x9a: {  	v14 =	vld [tilespmem:s6+$0xFFFFFFE0]  }
0x9b: {  	v15 =	vld [tilespmem:s6+$0xFFFFFFF0]  }
0x9c: {  	v16 =	vld [tilespmem:s6+$0x0]  }
0x9d: {  	v17 =	vld [tilespmem:s6+$0x10]  }
0x9e: {  	v18 =	vld [tilespmem:s6+$0x20]  }
0x9f: {  	s7 =	simm.s32 $0x600;
	v19 =	vld [tilespmem:s6+$0x40]  }
.LBB2_5:
0xa0: {  	p1 =	sne.s32 s7, $0xBA00;
	v20 =	vld [tilespmem:s6+$0x30]  }
0xa1: {  	v21 =	vld [tilespmem:s6+$0x50]  }
0xa2: {  	v22 =	vld [tilespmem:s6+$0x60]  }
0xa3: {  	s9 =	sshra.s32 s4, $0x2;
	s4 =	smov.u32 s7;
	v23 =	vld [tilespmem:s6+$0x70]  }
0xa4: {  	[tilespmem:s9+$0x58C0] =	vst.add.f32.msk $0xffff, v19  }
0xa5: {  	[tilespmem:s9+$0x5800] =	vst.add.f32.msk $0xffff, v8  }
0xa6: {  	[tilespmem:s9+$0x5810] =	vst.add.f32.msk $0xffff, v9  }
0xa7: {  	[tilespmem:s9+$0x5820] =	vst.add.f32.msk $0xffff, v10  }
0xa8: {  	[tilespmem:s9+$0x5830] =	vst.add.f32.msk $0xffff, v11  }
0xa9: {  	[tilespmem:s9+$0x5840] =	vst.add.f32.msk $0xffff, v12  }
0xaa: {  	[tilespmem:s9+$0x5850] =	vst.add.f32.msk $0xffff, v13  }
0xab: {  	[tilespmem:s9+$0x5860] =	vst.add.f32.msk $0xffff, v14  }
0xac: {  	[tilespmem:s9+$0x5870] =	vst.add.f32.msk $0xffff, v15  }
0xad: {  	[tilespmem:s9+$0x5880] =	vst.add.f32.msk $0xffff, v16  }
0xae: {  	[tilespmem:s9+$0x5890] =	vst.add.f32.msk $0xffff, v17  }
0xaf: {  	[tilespmem:s9+$0x58A0] =	vst.add.f32.msk $0xffff, v18  }
0xb0: {  	[tilespmem:s9+$0x58B0] =	vst.add.f32.msk $0xffff, v20  }
0xb1: {  	[tilespmem:s9+$0x5950] =	vst.add.f32.msk $0xffff, v5  }
0xb2: {  	[tilespmem:s9+$0x5960] =	vst.add.f32.msk $0xffff, v6  }
0xb3: {  	[tilespmem:s9+$0x5970] =	vst.add.f32.msk $0xffff, v7  }
0xb4: {  	[tilespmem:s9+$0x5940] =	vst.add.f32.msk $0xffff, v4  }
0xb5: {  	[tilespmem:s9+$0x5930] =	vst.add.f32.msk $0xffff, v3  }
0xb6: {  	[tilespmem:s9+$0x5920] =	vst.add.f32.msk $0xffff, v2  }
0xb7: {  	[tilespmem:s9+$0x5910] =	vst.add.f32.msk $0xffff, v1  }
0xb8: {  	[tilespmem:s9+$0x5900] =	vst.add.f32.msk $0xffff, v0  }
0xb9: {  	[tilespmem:s9+$0x58F0] =	vst.add.f32.msk $0xffff, v23  }
0xba: {  	[tilespmem:s9+$0x58E0] =	vst.add.f32.msk $0xffff, v22  }
0xbb: {  	s6 =	sadd.s32 $0x100, s6;
	[tilespmem:s9+$0x58D0] =	vst.add.f32.msk $0xffff, v21  }
0xbc: {  	v8 =	vld [tilespmem:s6+$0xFFFFFF80]  }
0xbd: {  	v9 =	vld [tilespmem:s6+$0xFFFFFF90]  }
0xbe: {  	v10 =	vld [tilespmem:s6+$0xFFFFFFA0]  }
0xbf: {  	v11 =	vld [tilespmem:s6+$0xFFFFFFB0]  }
0xc0: {  	v12 =	vld [tilespmem:s6+$0xFFFFFFC0]  }
0xc1: {  	v13 =	vld [tilespmem:s6+$0xFFFFFFD0]  }
0xc2: {  	v14 =	vld [tilespmem:s6+$0xFFFFFFE0]  }
.Ltmp3:
0xc3: {  	v15 =	vld [tilespmem:s6+$0xFFFFFFF0];
	(pc) =	sbr.rel @p1 .LBB2_5-.Ltmp3, $4  }
0xc4: {  	v16 =	vld [tilespmem:s6+$0x0]  }
0xc5: {  	v17 =	vld [tilespmem:s6+$0x10]  }
0xc6: {  	v18 =	vld [tilespmem:s6+$0x20]  }
0xc7: {  	s7 =	sadd.s32 $0x600, s7;
	v19 =	vld [tilespmem:s6+$0x40]  }
0xc8: {  	v20 =	vld [tilespmem:s6+$0x30]  }
0xc9: {  	v21 =	vld [tilespmem:s6+$0x50]  }
0xca: {  	v22 =	vld [tilespmem:s6+$0x60]  }
0xcb: {  	v23 =	vld [tilespmem:s6+$0x70];
	s4 =	sshra.s32 s4, $0x2  }
0xcc: {  	[tilespmem:s4+$0x5800] =	vst.add.f32.msk $0xffff, v8  }
0xcd: {  	[tilespmem:s4+$0x5810] =	vst.add.f32.msk $0xffff, v9  }
0xce: {  	[tilespmem:s4+$0x5820] =	vst.add.f32.msk $0xffff, v10  }
0xcf: {  	[tilespmem:s4+$0x5830] =	vst.add.f32.msk $0xffff, v11  }
0xd0: {  	[tilespmem:s4+$0x5840] =	vst.add.f32.msk $0xffff, v12  }
0xd1: {  	[tilespmem:s4+$0x5850] =	vst.add.f32.msk $0xffff, v13  }
0xd2: {  	[tilespmem:s4+$0x5860] =	vst.add.f32.msk $0xffff, v14  }
0xd3: {  	[tilespmem:s4+$0x5870] =	vst.add.f32.msk $0xffff, v15  }
0xd4: {  	[tilespmem:s4+$0x5880] =	vst.add.f32.msk $0xffff, v16  }
0xd5: {  	[tilespmem:s4+$0x5950] =	vst.add.f32.msk $0xffff, v5  }
0xd6: {  	[tilespmem:s4+$0x5960] =	vst.add.f32.msk $0xffff, v6  }
0xd7: {  	[tilespmem:s4+$0x5970] =	vst.add.f32.msk $0xffff, v7  }
0xd8: {  	[tilespmem:s4+$0x5940] =	vst.add.f32.msk $0xffff, v4  }
0xd9: {  	[tilespmem:s4+$0x5930] =	vst.add.f32.msk $0xffff, v3  }
0xda: {  	[tilespmem:s4+$0x5920] =	vst.add.f32.msk $0xffff, v2  }
0xdb: {  	[tilespmem:s4+$0x5910] =	vst.add.f32.msk $0xffff, v1  }
0xdc: {  	[tilespmem:s4+$0x5900] =	vst.add.f32.msk $0xffff, v0  }
0xdd: {  	[tilespmem:s4+$0x5890] =	vst.add.f32.msk $0xffff, v17  }
0xde: {  	[tilespmem:s4+$0x58A0] =	vst.add.f32.msk $0xffff, v18  }
0xdf: {  	s14 =	sshll.u32 s14, $0xA;
	[tilespmem:s4+$0x58C0] =	vst.add.f32.msk $0xffff, v19  }
0xe0: {  	s6 =	sor.u32 s8, s14;
	[tilespmem:s4+$0x58B0] =	vst.add.f32.msk $0xffff, v20  }
0xe1: {  	s14 =	sor.u32 $0x3, s1;
	s6 =	smul.u32 $0x30, s6;
	[tilespmem:s4+$0x58F0] =	vst.add.f32.msk $0xffff, v23  }
0xe2: {  	s1 =	sshll.u32 s14, $0xA;
	[tilespmem:s4+$0x58E0] =	vst.add.f32.msk $0xffff, v22  }
0xe3: {  	s1 =	sor.u32 s8, s1;
	s7 =	sadd.s32 s5, s6;
	[tilespmem:s4+$0x58D0] =	vst.add.f32.msk $0xffff, v21;
	s4 =	simm.s32 @!p0 $0x8  }
0xe4: {  	[hbm4b:s7+s3] =	stream.linear.scatter [tilespmem:s16], [sflag:$0x6], $0x3000, $0x38;
	[tilespmem:$0xE800] =	vst v63  }
0xe5: {  	s1 =	smul.u32 $0x30, s1;
	_ =	swait.ge @!p0 [sflag:s4], $0x3000  }
0xe6: {  	[sflag:s4] =	ssyncset.done @!p0 $0x0  }
0xe7: {  	s9 =	sadd.s32 s2, s1;
	[sflag:s4] =	ssyncadd.s32 @!p0 $0xFFFFD000;
	s4 =	simm.s32 $0x0  }
0xe8: {  	[tilespmem:s20], [sflag:$0x4] =	stream.linear.gather [hbm4b:s9+s4], $0x3000, $0x38;
	[tilespmem:$0xE800] =	vst v63  }
0xe9: {  	_ =	swait.ge [sflag:s21], $0x3000  }
0xea: {  	s0 =	sshll.u32 s0, $0x7;
	[sflag:s21] =	ssyncset.done $0x0  }
0xeb: {  	s0 =	sand.u32 $0x700, s0;
	[sflag:s21] =	ssyncadd.s32 $0xFFFFD000  }
0xec: {  	v0 =	vld [tilespmem:s0+$0x2000]  }
0xed: {  	v1 =	vld [tilespmem:s0+$0x2010]  }
0xee: {  	v2 =	vld [tilespmem:s0+$0x2020]  }
0xef: {  	v3 =	vld [tilespmem:s0+$0x2030]  }
0xf0: {  	v4 =	vld [tilespmem:s0+$0x2040]  }
0xf1: {  	v5 =	vld [tilespmem:s0+$0x2050]  }
0xf2: {  	v6 =	vld [tilespmem:s0+$0x2060]  }
0xf3: {  	v7 =	vld [tilespmem:s0+$0x2070];
	s0 =	simm.s32 $0x80  }
0xf4: {  	v8 =	vld [tilespmem:s0+$0xFFFFFF80]  }
0xf5: {  	v9 =	vld [tilespmem:s0+$0xFFFFFF90]  }
0xf6: {  	v10 =	vld [tilespmem:s0+$0xFFFFFFA0]  }
0xf7: {  	v11 =	vld [tilespmem:s0+$0xFFFFFFB0]  }
0xf8: {  	v12 =	vld [tilespmem:s0+$0xFFFFFFC0]  }
0xf9: {  	v13 =	vld [tilespmem:s0+$0xFFFFFFD0]  }
0xfa: {  	v14 =	vld [tilespmem:s0+$0xFFFFFFE0]  }
0xfb: {  	v15 =	vld [tilespmem:s0+$0xFFFFFFF0]  }
0xfc: {  	v16 =	vld [tilespmem:s0+$0x0]  }
0xfd: {  	v17 =	vld [tilespmem:s0+$0x10]  }
0xfe: {  	v18 =	vld [tilespmem:s0+$0x20]  }
0xff: {  	s6 =	simm.s32 $0x600;
	v19 =	vld [tilespmem:s0+$0x40]  }
.LBB2_7:
0x100: {  	p0 =	sne.s32 s6, $0xBA00;
	v20 =	vld [tilespmem:s0+$0x30]  }
0x101: {  	v21 =	vld [tilespmem:s0+$0x50]  }
0x102: {  	v22 =	vld [tilespmem:s0+$0x60]  }
0x103: {  	s7 =	sshra.s32 s4, $0x2;
	s4 =	smov.u32 s6;
	v23 =	vld [tilespmem:s0+$0x70]  }
0x104: {  	[tilespmem:s7+$0x88C0] =	vst.add.f32.msk $0xffff, v19  }
0x105: {  	[tilespmem:s7+$0x8800] =	vst.add.f32.msk $0xffff, v8  }
0x106: {  	[tilespmem:s7+$0x8810] =	vst.add.f32.msk $0xffff, v9  }
0x107: {  	[tilespmem:s7+$0x8820] =	vst.add.f32.msk $0xffff, v10  }
0x108: {  	[tilespmem:s7+$0x8830] =	vst.add.f32.msk $0xffff, v11  }
0x109: {  	[tilespmem:s7+$0x8840] =	vst.add.f32.msk $0xffff, v12  }
0x10a: {  	[tilespmem:s7+$0x8850] =	vst.add.f32.msk $0xffff, v13  }
0x10b: {  	[tilespmem:s7+$0x8860] =	vst.add.f32.msk $0xffff, v14  }
0x10c: {  	[tilespmem:s7+$0x8870] =	vst.add.f32.msk $0xffff, v15  }
0x10d: {  	[tilespmem:s7+$0x8880] =	vst.add.f32.msk $0xffff, v16  }
0x10e: {  	[tilespmem:s7+$0x8890] =	vst.add.f32.msk $0xffff, v17  }
0x10f: {  	[tilespmem:s7+$0x88A0] =	vst.add.f32.msk $0xffff, v18  }
0x110: {  	[tilespmem:s7+$0x88B0] =	vst.add.f32.msk $0xffff, v20  }
0x111: {  	[tilespmem:s7+$0x8950] =	vst.add.f32.msk $0xffff, v5  }
0x112: {  	[tilespmem:s7+$0x8960] =	vst.add.f32.msk $0xffff, v6  }
0x113: {  	[tilespmem:s7+$0x8970] =	vst.add.f32.msk $0xffff, v7  }
0x114: {  	[tilespmem:s7+$0x8940] =	vst.add.f32.msk $0xffff, v4  }
0x115: {  	[tilespmem:s7+$0x8930] =	vst.add.f32.msk $0xffff, v3  }
0x116: {  	[tilespmem:s7+$0x8920] =	vst.add.f32.msk $0xffff, v2  }
0x117: {  	[tilespmem:s7+$0x8910] =	vst.add.f32.msk $0xffff, v1  }
0x118: {  	[tilespmem:s7+$0x8900] =	vst.add.f32.msk $0xffff, v0  }
0x119: {  	[tilespmem:s7+$0x88F0] =	vst.add.f32.msk $0xffff, v23  }
0x11a: {  	[tilespmem:s7+$0x88E0] =	vst.add.f32.msk $0xffff, v22  }
0x11b: {  	s0 =	sadd.s32 $0x100, s0;
	[tilespmem:s7+$0x88D0] =	vst.add.f32.msk $0xffff, v21  }
0x11c: {  	v8 =	vld [tilespmem:s0+$0xFFFFFF80]  }
0x11d: {  	v9 =	vld [tilespmem:s0+$0xFFFFFF90]  }
0x11e: {  	v10 =	vld [tilespmem:s0+$0xFFFFFFA0]  }
0x11f: {  	v11 =	vld [tilespmem:s0+$0xFFFFFFB0]  }
0x120: {  	v12 =	vld [tilespmem:s0+$0xFFFFFFC0]  }
0x121: {  	v13 =	vld [tilespmem:s0+$0xFFFFFFD0]  }
0x122: {  	v14 =	vld [tilespmem:s0+$0xFFFFFFE0]  }
.Ltmp4:
0x123: {  	v15 =	vld [tilespmem:s0+$0xFFFFFFF0];
	(pc) =	sbr.rel @p0 .LBB2_7-.Ltmp4, $4  }
0x124: {  	v16 =	vld [tilespmem:s0+$0x0]  }
0x125: {  	v17 =	vld [tilespmem:s0+$0x10]  }
0x126: {  	v18 =	vld [tilespmem:s0+$0x20]  }
0x127: {  	s6 =	sadd.s32 $0x600, s6;
	v19 =	vld [tilespmem:s0+$0x40]  }
0x128: {  	v20 =	vld [tilespmem:s0+$0x30]  }
0x129: {  	v21 =	vld [tilespmem:s0+$0x50]  }
0x12a: {  	v22 =	vld [tilespmem:s0+$0x60]  }
0x12b: {  	v23 =	vld [tilespmem:s0+$0x70];
	s7 =	sshra.s32 s4, $0x2  }
0x12c: {  	[tilespmem:s7+$0x8800] =	vst.add.f32.msk $0xffff, v8  }
0x12d: {  	[tilespmem:s7+$0x8810] =	vst.add.f32.msk $0xffff, v9  }
0x12e: {  	[tilespmem:s7+$0x8820] =	vst.add.f32.msk $0xffff, v10  }
0x12f: {  	[tilespmem:s7+$0x8830] =	vst.add.f32.msk $0xffff, v11  }
0x130: {  	[tilespmem:s7+$0x8840] =	vst.add.f32.msk $0xffff, v12  }
0x131: {  	[tilespmem:s7+$0x8850] =	vst.add.f32.msk $0xffff, v13  }
0x132: {  	[tilespmem:s7+$0x8860] =	vst.add.f32.msk $0xffff, v14  }
0x133: {  	[tilespmem:s7+$0x8870] =	vst.add.f32.msk $0xffff, v15  }
0x134: {  	[tilespmem:s7+$0x8880] =	vst.add.f32.msk $0xffff, v16  }
0x135: {  	[tilespmem:s7+$0x8950] =	vst.add.f32.msk $0xffff, v5  }
0x136: {  	[tilespmem:s7+$0x8960] =	vst.add.f32.msk $0xffff, v6  }
0x137: {  	[tilespmem:s7+$0x8970] =	vst.add.f32.msk $0xffff, v7  }
0x138: {  	[tilespmem:s7+$0x8940] =	vst.add.f32.msk $0xffff, v4  }
0x139: {  	[tilespmem:s7+$0x8930] =	vst.add.f32.msk $0xffff, v3  }
0x13a: {  	[tilespmem:s7+$0x8920] =	vst.add.f32.msk $0xffff, v2  }
0x13b: {  	[tilespmem:s7+$0x8910] =	vst.add.f32.msk $0xffff, v1  }
0x13c: {  	[tilespmem:s7+$0x8900] =	vst.add.f32.msk $0xffff, v0  }
0x13d: {  	[tilespmem:s7+$0x8890] =	vst.add.f32.msk $0xffff, v17  }
0x13e: {  	[tilespmem:s7+$0x88A0] =	vst.add.f32.msk $0xffff, v18  }
0x13f: {  	[tilespmem:s7+$0x88C0] =	vst.add.f32.msk $0xffff, v19  }
0x140: {  	[tilespmem:s7+$0x88B0] =	vst.add.f32.msk $0xffff, v20  }
0x141: {  	[tilespmem:s7+$0x88F0] =	vst.add.f32.msk $0xffff, v23  }
0x142: {  	p0 =	seq.s32 s29, $0xF;
	[tilespmem:s7+$0x88E0] =	vst.add.f32.msk $0xffff, v22  }
0x143: {  	s9 =	sadd.s32 s5, s31;
	s0 =	simm.s32 @!p0 $0x5;
	s4 =	sadd.s32 @!p0 s10, s30;
	[tilespmem:s7+$0x88D0] =	vst.add.f32.msk $0xffff, v21  }
0x144: {  	[hbm4b:s9+s3] =	stream.linear.scatter [tilespmem:s18], [sflag:$0x7], $0x3000, $0x38;
	[tilespmem:$0xE800] =	vst v63  }
0x145: {  	s4 =	smul.u32 @!p0 $0x30, s4;
	_ =	swait.ge @!p0 [sflag:s0], $0x3000  }
0x146: {  	s6 =	simm.s32 @!p0 $0x2800;
	[sflag:s0] =	ssyncset.done @!p0 $0x0  }
0x147: {  	[sflag:s0] =	ssyncadd.s32 @!p0 $0xFFFFD000;
	s0 =	sadd.s32 @!p0 s2, s4;
	s4 =	simm.s32 @!p0 $0x0  }
0x148: {  	[tilespmem:s6], [sflag:$0x1] =	stream.linear.gather @!p0 [hbm4b:s0+s4], $0x3000, $0x38;
	[tilespmem:$0xE800] =	vst v63  }
0x149: {  	_ =	swait.ge [sflag:s22], $0x3000  }
0x14a: {  	s31 =	sshll.u32 s14, $0x7;
	[sflag:s22] =	ssyncset.done $0x0  }
0x14b: {  	s0 =	sand.u32 $0x780, s31;
	[sflag:s22] =	ssyncadd.s32 $0xFFFFD000  }
0x14c: {  	v0 =	vld [tilespmem:s0+$0x2000]  }
0x14d: {  	v1 =	vld [tilespmem:s0+$0x2010]  }
0x14e: {  	v2 =	vld [tilespmem:s0+$0x2020]  }
0x14f: {  	v3 =	vld [tilespmem:s0+$0x2030]  }
0x150: {  	v4 =	vld [tilespmem:s0+$0x2040]  }
0x151: {  	v5 =	vld [tilespmem:s0+$0x2050]  }
0x152: {  	v6 =	vld [tilespmem:s0+$0x2060]  }
0x153: {  	v7 =	vld [tilespmem:s0+$0x2070];
	s0 =	simm.s32 $0x80  }
0x154: {  	v8 =	vld [tilespmem:s0+$0xFFFFFF80]  }
0x155: {  	v9 =	vld [tilespmem:s0+$0xFFFFFF90]  }
0x156: {  	v10 =	vld [tilespmem:s0+$0xFFFFFFA0]  }
0x157: {  	v11 =	vld [tilespmem:s0+$0xFFFFFFB0]  }
0x158: {  	v12 =	vld [tilespmem:s0+$0xFFFFFFC0]  }
0x159: {  	v13 =	vld [tilespmem:s0+$0xFFFFFFD0]  }
0x15a: {  	v14 =	vld [tilespmem:s0+$0xFFFFFFE0]  }
0x15b: {  	v15 =	vld [tilespmem:s0+$0xFFFFFFF0]  }
0x15c: {  	v16 =	vld [tilespmem:s0+$0x0]  }
0x15d: {  	v17 =	vld [tilespmem:s0+$0x10]  }
0x15e: {  	v18 =	vld [tilespmem:s0+$0x20]  }
0x15f: {  	s4 =	simm.s32 $0x0;
	s6 =	simm.s32 $0x600;
	v19 =	vld [tilespmem:s0+$0x40]  }
.LBB2_9:
0x160: {  	p1 =	sne.s32 s6, $0xBA00;
	v20 =	vld [tilespmem:s0+$0x30]  }
0x161: {  	v21 =	vld [tilespmem:s0+$0x50]  }
0x162: {  	v22 =	vld [tilespmem:s0+$0x60]  }
0x163: {  	s7 =	sshra.s32 s4, $0x2;
	s4 =	smov.u32 s6;
	v23 =	vld [tilespmem:s0+$0x70]  }
0x164: {  	[tilespmem:s7+$0xB8C0] =	vst.add.f32.msk $0xffff, v19  }
0x165: {  	[tilespmem:s7+$0xB800] =	vst.add.f32.msk $0xffff, v8  }
0x166: {  	[tilespmem:s7+$0xB810] =	vst.add.f32.msk $0xffff, v9  }
0x167: {  	[tilespmem:s7+$0xB820] =	vst.add.f32.msk $0xffff, v10  }
0x168: {  	[tilespmem:s7+$0xB830] =	vst.add.f32.msk $0xffff, v11  }
0x169: {  	[tilespmem:s7+$0xB840] =	vst.add.f32.msk $0xffff, v12  }
0x16a: {  	[tilespmem:s7+$0xB850] =	vst.add.f32.msk $0xffff, v13  }
0x16b: {  	[tilespmem:s7+$0xB860] =	vst.add.f32.msk $0xffff, v14  }
0x16c: {  	[tilespmem:s7+$0xB870] =	vst.add.f32.msk $0xffff, v15  }
0x16d: {  	[tilespmem:s7+$0xB880] =	vst.add.f32.msk $0xffff, v16  }
0x16e: {  	[tilespmem:s7+$0xB890] =	vst.add.f32.msk $0xffff, v17  }
0x16f: {  	[tilespmem:s7+$0xB8A0] =	vst.add.f32.msk $0xffff, v18  }
0x170: {  	[tilespmem:s7+$0xB8B0] =	vst.add.f32.msk $0xffff, v20  }
0x171: {  	[tilespmem:s7+$0xB950] =	vst.add.f32.msk $0xffff, v5  }
0x172: {  	[tilespmem:s7+$0xB960] =	vst.add.f32.msk $0xffff, v6  }
0x173: {  	[tilespmem:s7+$0xB970] =	vst.add.f32.msk $0xffff, v7  }
0x174: {  	[tilespmem:s7+$0xB940] =	vst.add.f32.msk $0xffff, v4  }
0x175: {  	[tilespmem:s7+$0xB930] =	vst.add.f32.msk $0xffff, v3  }
0x176: {  	[tilespmem:s7+$0xB920] =	vst.add.f32.msk $0xffff, v2  }
0x177: {  	[tilespmem:s7+$0xB910] =	vst.add.f32.msk $0xffff, v1  }
0x178: {  	[tilespmem:s7+$0xB900] =	vst.add.f32.msk $0xffff, v0  }
0x179: {  	[tilespmem:s7+$0xB8F0] =	vst.add.f32.msk $0xffff, v23  }
0x17a: {  	[tilespmem:s7+$0xB8E0] =	vst.add.f32.msk $0xffff, v22  }
0x17b: {  	s0 =	sadd.s32 $0x100, s0;
	[tilespmem:s7+$0xB8D0] =	vst.add.f32.msk $0xffff, v21  }
0x17c: {  	v8 =	vld [tilespmem:s0+$0xFFFFFF80]  }
0x17d: {  	v9 =	vld [tilespmem:s0+$0xFFFFFF90]  }
0x17e: {  	v10 =	vld [tilespmem:s0+$0xFFFFFFA0]  }
0x17f: {  	v11 =	vld [tilespmem:s0+$0xFFFFFFB0]  }
0x180: {  	v12 =	vld [tilespmem:s0+$0xFFFFFFC0]  }
0x181: {  	v13 =	vld [tilespmem:s0+$0xFFFFFFD0]  }
0x182: {  	v14 =	vld [tilespmem:s0+$0xFFFFFFE0]  }
.Ltmp5:
0x183: {  	v15 =	vld [tilespmem:s0+$0xFFFFFFF0];
	(pc) =	sbr.rel @p1 .LBB2_9-.Ltmp5, $4  }
0x184: {  	v16 =	vld [tilespmem:s0+$0x0]  }
0x185: {  	v17 =	vld [tilespmem:s0+$0x10]  }
0x186: {  	v18 =	vld [tilespmem:s0+$0x20]  }
0x187: {  	s6 =	sadd.s32 $0x600, s6;
	v19 =	vld [tilespmem:s0+$0x40]  }
0x188: {  	v20 =	vld [tilespmem:s0+$0x30]  }
0x189: {  	v21 =	vld [tilespmem:s0+$0x50]  }
0x18a: {  	v22 =	vld [tilespmem:s0+$0x60]  }
0x18b: {  	v23 =	vld [tilespmem:s0+$0x70];
	s14 =	sshra.s32 s4, $0x2  }
0x18c: {  	[tilespmem:s14+$0xB800] =	vst.add.f32.msk $0xffff, v8  }
0x18d: {  	[tilespmem:s14+$0xB810] =	vst.add.f32.msk $0xffff, v9  }
0x18e: {  	[tilespmem:s14+$0xB820] =	vst.add.f32.msk $0xffff, v10  }
0x18f: {  	[tilespmem:s14+$0xB830] =	vst.add.f32.msk $0xffff, v11  }
0x190: {  	[tilespmem:s14+$0xB840] =	vst.add.f32.msk $0xffff, v12  }
0x191: {  	[tilespmem:s14+$0xB850] =	vst.add.f32.msk $0xffff, v13  }
0x192: {  	[tilespmem:s14+$0xB860] =	vst.add.f32.msk $0xffff, v14  }
0x193: {  	[tilespmem:s14+$0xB870] =	vst.add.f32.msk $0xffff, v15  }
0x194: {  	[tilespmem:s14+$0xB880] =	vst.add.f32.msk $0xffff, v16  }
0x195: {  	[tilespmem:s14+$0xB950] =	vst.add.f32.msk $0xffff, v5  }
0x196: {  	[tilespmem:s14+$0xB960] =	vst.add.f32.msk $0xffff, v6  }
0x197: {  	[tilespmem:s14+$0xB970] =	vst.add.f32.msk $0xffff, v7  }
0x198: {  	[tilespmem:s14+$0xB940] =	vst.add.f32.msk $0xffff, v4  }
0x199: {  	[tilespmem:s14+$0xB930] =	vst.add.f32.msk $0xffff, v3  }
0x19a: {  	[tilespmem:s14+$0xB920] =	vst.add.f32.msk $0xffff, v2  }
0x19b: {  	[tilespmem:s14+$0xB910] =	vst.add.f32.msk $0xffff, v1  }
0x19c: {  	[tilespmem:s14+$0xB900] =	vst.add.f32.msk $0xffff, v0  }
0x19d: {  	[tilespmem:s14+$0xB890] =	vst.add.f32.msk $0xffff, v17  }
0x19e: {  	[tilespmem:s14+$0xB8A0] =	vst.add.f32.msk $0xffff, v18  }
0x19f: {  	[tilespmem:s14+$0xB8C0] =	vst.add.f32.msk $0xffff, v19  }
.Ltmp6:
0x1a0: {  	[tilespmem:s14+$0xB8B0] =	vst.add.f32.msk $0xffff, v20;
	(pc) =	sbr.rel @p0 .LBB2_12-.Ltmp6, $4  }
0x1a1: {  	[tilespmem:s14+$0xB8F0] =	vst.add.f32.msk $0xffff, v23  }
0x1a2: {  	[tilespmem:s14+$0xB8E0] =	vst.add.f32.msk $0xffff, v22  }
0x1a3: {  	s31 =	sadd.s32 s5, s1;
	[tilespmem:s14+$0xB8D0] =	vst.add.f32.msk $0xffff, v21  }
0x1a4: {  	[hbm4b:s31+s3] =	stream.linear.scatter [tilespmem:s20], [sflag:$0x8], $0x3000, $0x38;
	[tilespmem:$0xE800] =	vst v63  }
.Ltmp7:
0x1a5: {  	s0 =	sadd.s32 s11, s30;
	(pc) =	sbr.rel .LBB2_2-.Ltmp7, $4  }
0x1a6: {  	_ =	swait.ge [sflag:s24], $0x3000;
	s0 =	smul.u32 $0x30, s0  }
0x1a7: {  	[sflag:s24] =	ssyncset.done $0x0  }
0x1a8: {  	s29 =	sadd.s32 $0x1, s29;
	[sflag:s24] =	ssyncadd.s32 $0xFFFFD000;
	s0 =	sadd.s32 s2, s0  }
0x1a9: {  	[tilespmem:s16], [sflag:$0x2] =	stream.linear.gather [hbm4b:s0+s3], $0x3000, $0x38;
	[tilespmem:$0xE800] =	vst v63  }
.LBB2_13:
0x1aa: {  	_ =	sfence.sel $0x180000  }
0x1ab: {  	[bflag:$0x0] =	sbarrier.arrive $0xFFFF  }
0x1ac: {  	_ =	strace $0x90000047  }
0x1ad: {  	s0 =	stileid.u32;
	[bflag:$0x2] =	sbarrier.arrive $0xFFFF  }
0x1ae: {  	p0 =	sne.s32 s0, $0x0;
	s0 =	rddreg [dreg:$0x2]  }
0x1af: {  	s0 =	sadd.s32 @!p0 $0x100000, s0  }
0x1b0: {  	[sflag:s0] =	ssyncadd.tile.s32 @!p0 $0x1;
	_ =	shalt  }
.Lfunc_end2:
_tile_overlayer_lowered:
.L_overlay_start_2:
0x1b1: {  	(tag) =	ssettag $0x2  }
0x1b2: {  	s0 =	rddreg [dreg:$0x0];
	s2 =	stileid.u32  }
0x1b3: {  	s1 =	rddreg [dreg:$0x1];
	p0 =	sne.s32 s2, $0x0  }
0x1b4: {  	s3 =	rddreg [dreg:$0x2];
	[bflag:$0x3] =	sbarrier.arrive $0xFFFF;
	s2 =	simm.s32 @!p0 $0x1C09  }
0x1b5: {  	[timem:s3], [sflag:s2] =	dma.local @!p0 [hbm:s0], s1  }
0x1b6: {  	s0 =	simm.s32 @!p0 $0x9  }
0x1b7: {  	_ =	swait.ge @!p0 [sflag:s0], s1  }
0x1b8: {  	s1 =	ssub.s32 @!p0 $0x0, s1;
	[sflag:s0] =	ssyncset.done @!p0 $0x0  }
0x1b9: {  	[sflag:s0] =	ssyncadd.s32 @!p0 s1  }
0x1ba: {  	[bflag:$0x3] =	sbarrier.arrive $0xFFFF  }
0x1bb: {  	_ =	shalt  }

</sc_bundles>
